<compile_context>
chip_gen: v7x
topology: tpu7x:2x2x1
jax: 0.10.2.dev20260603
libtpu: 0.0.44.dev20260713+nightly
codegen_flags: <defaults>
</compile_context>

<pallas_src>
import functools

import jax
import jax.numpy as jnp
from jax import lax
from jax.experimental import pallas as pl
from jax.experimental.pallas import tpu as pltpu
from jax.experimental.pallas import tpu_sc as plsc

_NC = 2
_NS = 16
_NW = _NC * _NS


def _sc_gather(X3, emb_E, emb_R):
    M = X3.shape[1] * X3.shape[2]
    D = emb_E.shape[1]
    bpw = M // _NW
    nchunk = bpw // 128

    mesh = plsc.VectorSubcoreMesh(core_axis_name="c", subcore_axis_name="s")

    @functools.partial(
        pl.kernel,
        mesh=mesh,
        out_type=[jax.ShapeDtypeStruct((M, D), jnp.float32) for _ in range(3)],
        scratch_types=[
            pltpu.VMEM((3, nchunk, 128), jnp.int32),
            pltpu.VMEM((3 * bpw, D), jnp.float32),
            pltpu.SemaphoreType.DMA,
            pltpu.SemaphoreType.DMA,
        ],
    )
    def gather_kernel(x_hbm, e_hbm, r_hbm, out_hs, out_ls, out_ts,
                      idx_v, rows_v, gsem, osem):
        wid = lax.axis_index("s") * _NC + lax.axis_index("c")
        rowbase = wid * nchunk
        base = wid * bpw
        pltpu.sync_copy(x_hbm.at[:, pl.ds(rowbase, nchunk), :], idx_v)
        tabs = (e_hbm, r_hbm, e_hbm)
        cps = []
        for seg in range(3):
            for j in range(nchunk):
                cps.append(pltpu.async_copy(
                    tabs[seg].at[idx_v.at[seg, j]],
                    rows_v.at[pl.ds((seg * nchunk + j) * 128, 128)], gsem))
        for cp in cps:
            cp.wait()
        outs = (out_hs, out_ls, out_ts)
        ocps = [
            pltpu.async_copy(rows_v.at[pl.ds(seg * bpw, bpw)],
                             outs[seg].at[pl.ds(base, bpw)], osem)
            for seg in range(3)
        ]
        for cp in ocps:
            cp.wait()

    return gather_kernel(X3, emb_E, emb_R)


_CONTRACT_1_1 = (((1,), (1,)), ((), ()))


def _mlp_body(ehs, ets, els, xlit, wlitT, blit, w1T, b1, w2r, b2, out):
    elit = jnp.dot(xlit[...], wlitT[...],
                   preferred_element_type=jnp.float32) + blit[...]
    phi = jnp.concatenate([ehs[...], ets[...], els[...], elit], axis=1)
    h = jnp.maximum(
        jnp.dot(phi.astype(jnp.bfloat16), w1T[...],
                preferred_element_type=jnp.float32) + b1[...],
        0.0)
    y = jnp.sum(h * w2r[...], axis=1, keepdims=True) + b2[...]
    out[...] = jax.nn.sigmoid(y)


def _mlp_call(e_hs, e_ts, e_ls, xlit, wlitT, blit, w1T, b1, w2r, b2):
    M = e_hs.shape[0]
    na = xlit.shape[1]
    bm = 2048
    grid = (M // bm,)
    return pl.pallas_call(
        _mlp_body,
        grid=grid,
        in_specs=[
            pl.BlockSpec((bm, 128), lambda i: (i, 0)),
            pl.BlockSpec((bm, 128), lambda i: (i, 0)),
            pl.BlockSpec((bm, 128), lambda i: (i, 0)),
            pl.BlockSpec((bm, na), lambda i: (i, 0)),
            pl.BlockSpec((na, 128), lambda i: (0, 0)),
            pl.BlockSpec((1, 128), lambda i: (0, 0)),
            pl.BlockSpec((512, 1024), lambda i: (0, 0)),
            pl.BlockSpec((1, 1024), lambda i: (0, 0)),
            pl.BlockSpec((1, 1024), lambda i: (0, 0)),
            pl.BlockSpec((1, 1), lambda i: (0, 0)),
        ],
        out_specs=pl.BlockSpec((bm, 1), lambda i: (i, 0)),
        out_shape=jax.ShapeDtypeStruct((M, 1), jnp.float32),
    )(e_hs, e_ts, e_ls, xlit, wlitT, blit, w1T, b1, w2r, b2)


_NSPLIT = 2


def kernel(X, X_lit, emb_E, emb_R, W_lit, b_lit, W1, b1, W2, b2):
    M = X.shape[1]
    Mh = M // _NSPLIT
    Xi = X.astype(jnp.int32)
    xlit_b = X_lit.astype(jnp.bfloat16)
    wlitT_b = W_lit.T.astype(jnp.bfloat16)
    blit = b_lit.reshape(1, -1)
    w1T_b = W1.T.astype(jnp.bfloat16)
    b1r = b1.reshape(1, -1)
    b2r = b2.reshape(1, 1)
    outs = []
    for s in range(_NSPLIT):
        Xs = Xi[:, s * Mh:(s + 1) * Mh].reshape(3, Mh // 128, 128)
        e_hs, e_ls, e_ts = _sc_gather(Xs, emb_E, emb_R)
        outs.append(_mlp_call(
            e_hs, e_ts, e_ls, xlit_b[s * Mh:(s + 1) * Mh], wlitT_b,
            blit, w1T_b, b1r, W2, b2r))
    return jnp.concatenate(outs, axis=0)

# --- scband reference (transcript-rebuilt; emitter-appended) ---
"""Pipeline reference for scband-erlmlp-12902081757320 (READ-ONLY COPY).

The authoritative reference and input builder live on the scoring server;
editing this copy changes nothing except your own understanding.
"""

import jax, jax.numpy as jnp
import numpy as np

N_E = 100000
N_R = 100000
N_A = 100
K = 128
L = 128
H_DIM = 1024
M = 16384


def setup_inputs(seed: int = 0) -> dict:
    key = jax.random.key(seed)
    ks = jax.random.split(key, 12)
    X = jax.random.randint(ks[0], (3, M), 0, N_E, dtype=jnp.int64) if jax.config.jax_enable_x64 else jax.random.randint(ks[0], (3, M), 0, N_E).astype(jnp.int32)
    X_lit = jax.random.normal(ks[1], (M, N_A), dtype=jnp.float32)
    r = 6.0 / np.sqrt(K)
    emb_E = jax.random.uniform(ks[2], (N_E, K), dtype=jnp.float32, minval=-r, maxval=r)
    emb_R = jax.random.uniform(ks[3], (N_R, K), dtype=jnp.float32, minval=-r, maxval=r)
    # renorm rows to max L2 norm 1 (torch renorm_ p=2 dim=0 maxnorm=1)
    def renorm(w):
        n = jnp.linalg.norm(w, axis=1, keepdims=True)
        scale = jnp.minimum(1.0, 1.0 / jnp.maximum(n, 1e-12))
        return w * scale
    emb_E = renorm(emb_E)
    emb_R = renorm(emb_R)
    # Linear layers (torch default init: U(-1/sqrt(fan_in), 1/sqrt(fan_in)))
    b_lit_bound = 1.0 / np.sqrt(N_A)
    W_lit = jax.random.uniform(ks[4], (L, N_A), dtype=jnp.float32, minval=-b_lit_bound, maxval=b_lit_bound)
    b_lit = jax.random.uniform(ks[5], (L,), dtype=jnp.float32, minval=-b_lit_bound, maxval=b_lit_bound)
    fan1 = 3 * K + L
    b1_bound = 1.0 / np.sqrt(fan1)
    W1 = jax.random.uniform(ks[6], (H_DIM, fan1), dtype=jnp.float32, minval=-b1_bound, maxval=b1_bound)
    b1 = jax.random.uniform(ks[7], (H_DIM,), dtype=jnp.float32, minval=-b1_bound, maxval=b1_bound)
    b2_bound = 1.0 / np.sqrt(H_DIM)
    W2 = jax.random.uniform(ks[8], (1, H_DIM), dtype=jnp.float32, minval=-b2_bound, maxval=b2_bound)
    b2 = jax.random.uniform(ks[9], (1,), dtype=jnp.float32, minval=-b2_bound, maxval=b2_bound)
    return {"X": X, "X_lit": X_lit, "emb_E": emb_E, "emb_R": emb_R,
            "W_lit": W_lit, "b_lit": b_lit, "W1": W1, "b1": b1, "W2": W2, "b2": b2}


def reference(X, X_lit, emb_E, emb_R, W_lit, b_lit, W1, b1, W2, b2):
    hs = X[0]
    ls = X[1]
    ts = X[2]
    e_hs = jnp.take(emb_E, hs, axis=0)
    e_ts = jnp.take(emb_E, ts, axis=0)
    e_ls = jnp.take(emb_R, ls, axis=0)
    e_as = X_lit @ W_lit.T + b_lit
    phi = jnp.concatenate([e_hs, e_ts, e_ls, e_as], axis=1)
    h = jax.nn.relu(phi @ W1.T + b1)
    y_logit = h @ W2.T + b2
    y_prob = jax.nn.sigmoid(y_logit)
    return y_prob

if __name__ == "__main__":
    import jax
    _d = setup_inputs()
    print(jax.jit(kernel)(*tuple(_d.values())))

</pallas_src>

<mosaic_0001>
#map = affine_map<(d0, d1) -> (0, 0, 0)>
#map1 = affine_map<(d0, d1) -> (0, 0)>
module attributes {stable_mosaic.version = 14 : i64} {
  func.func @gather_kernel(%arg0: i32, %arg1: i32, %arg2: memref<3x64x128xi32, #tpu.memory_space<hbm>>, %arg3: memref<100000x128xf32, #tpu.memory_space<hbm>>, %arg4: memref<100000x128xf32, #tpu.memory_space<hbm>>, %arg5: memref<8192x128xf32, #tpu.memory_space<hbm>>, %arg6: memref<8192x128xf32, #tpu.memory_space<hbm>>, %arg7: memref<8192x128xf32, #tpu.memory_space<hbm>>, %arg8: memref<3x2x128xi32, #tpu.memory_space<vmem>>, %arg9: memref<768x128xf32, #tpu.memory_space<vmem>>, %arg10: memref<!tpu.dma_semaphore, #tpu.memory_space<semaphore_mem>>, %arg11: memref<!tpu.dma_semaphore, #tpu.memory_space<semaphore_mem>>) attributes {dimension_semantics = [#tpu.dimension_semantics<core_parallel>, #tpu.dimension_semantics<subcore_parallel>], iteration_bounds = array<i64: 2, 16>, scalar_prefetch = 0 : i64, scratch_operands = 4 : i64, tpu.core_type = #tpu.core_type<sc_vector_subcore>, window_params = [{transform_indices = #map}, {transform_indices = #map1}, {transform_indices = #map1}, {transform_indices = #map1}, {transform_indices = #map1}, {transform_indices = #map1}]} {
    %mul3A = arith.constant 2 : i32
    %mul3A_0 = arith.muli %arg1, %mul3A : i32
    %add3A = arith.addi %mul3A_0, %arg0 : i32
    %mul3A_1 = arith.constant 2 : i32
    %mul3A_2 = arith.muli %add3A, %mul3A_1 : i32
    %mul3A_3 = arith.constant 256 : i32
    %mul3A_4 = arith.muli %add3A, %mul3A_3 : i32
    "tpu.region"() ({
      %run_scoped3A = tpu.sem_alloc : memref<!tpu.dma_semaphore, #tpu.memory_space<semaphore_mem>>
      %dma_start3A_195 = arith.constant 0 : i32
      %dma_start3A_196 = arith.constant 0 : i32
      %dma_start3A_197 = tpu.memref_slice %arg2[%dma_start3A_195, %mul3A_2, %dma_start3A_196] : memref<3x64x128xi32, #tpu.memory_space<hbm>> -> memref<3x2x128xi32, #tpu.memory_space<hbm>>
      %dma_start3A_198 = arith.constant 0 : i32
      %dma_start3A_199 = arith.constant 0 : i32
      %dma_start3A_200 = tpu.memref_slice %arg2[%dma_start3A_198, %mul3A_2, %dma_start3A_199] : memref<3x64x128xi32, #tpu.memory_space<hbm>> -> memref<3x2x128xi32, #tpu.memory_space<hbm>>
      tpu.enqueue_dma source(%dma_start3A_200 : memref<3x2x128xi32, #tpu.memory_space<hbm>>) target(%arg8 : memref<3x2x128xi32, #tpu.memory_space<vmem>>) target_semaphore(%run_scoped3A : memref<!tpu.dma_semaphore, #tpu.memory_space<semaphore_mem>>)
      %dma_wait3A_201 = arith.constant 0 : i32
      %dma_wait3A_202 = arith.constant 0 : i32
      %dma_wait3A_203 = tpu.memref_slice %arg2[%dma_wait3A_201, %mul3A_2, %dma_wait3A_202] : memref<3x64x128xi32, #tpu.memory_space<hbm>> -> memref<3x2x128xi32, #tpu.memory_space<hbm>>
      %dma_wait3A_204 = arith.constant 0 : i32
      %dma_wait3A_205 = arith.constant 0 : i32
      %dma_wait3A_206 = tpu.memref_slice %arg2[%dma_wait3A_204, %mul3A_2, %dma_wait3A_205] : memref<3x64x128xi32, #tpu.memory_space<hbm>> -> memref<3x2x128xi32, #tpu.memory_space<hbm>>
      tpu.wait_dma2 semaphore(%run_scoped3A : memref<!tpu.dma_semaphore, #tpu.memory_space<semaphore_mem>>) src(%dma_wait3A_206 : memref<3x2x128xi32, #tpu.memory_space<hbm>>) dst(%arg8 : memref<3x2x128xi32, #tpu.memory_space<vmem>>)
      tpu.yield
    }) : () -> ()
    %dma_start3A = arith.constant 0 : i32
    %dma_start3A_5 = arith.constant 0 : i32
    %dma_start3A_6 = arith.constant 0 : i32
    %dma_start3A_7 = arith.constant 0 : i32
    %dma_start3A_8 = tpu.memref_slice %arg9[%dma_start3A_6, %dma_start3A_7] : memref<768x128xf32, #tpu.memory_space<vmem>> -> memref<128x128xf32, #tpu.memory_space<vmem>>
    %dma_start3A_9 = arith.constant 0 : i32
    %dma_start3A_10 = tpu.memref_slice %arg8[%dma_start3A, %dma_start3A_5, %dma_start3A_9] : memref<3x2x128xi32, #tpu.memory_space<vmem>> -> memref<1x1x128xi32, #tpu.memory_space<vmem>>
    %dma_start3A_11 = tpu.memref_squeeze %dma_start3A_10 : memref<1x1x128xi32, #tpu.memory_space<vmem>> -> memref<128xi32, #tpu.memory_space<vmem>>
    %dma_start3A_12 = arith.constant 0 : i32
    %dma_start3A_13 = arith.constant 0 : i32
    %dma_start3A_14 = tpu.memref_slice %arg3[%dma_start3A_12, %dma_start3A_13] : memref<100000x128xf32, #tpu.memory_space<hbm>> -> memref<100000x128xf32, #tpu.memory_space<hbm>>
    tpu.enqueue_indirect_dma source(%dma_start3A_14 : memref<100000x128xf32, #tpu.memory_space<hbm>>) target(%dma_start3A_8 : memref<128x128xf32, #tpu.memory_space<vmem>>) offsets(%dma_start3A_11 : memref<128xi32, #tpu.memory_space<vmem>>) semaphore(%arg10 : memref<!tpu.dma_semaphore, #tpu.memory_space<semaphore_mem>>)
    %dma_start3A_15 = arith.constant 0 : i32
    %dma_start3A_16 = arith.constant 1 : i32
    %dma_start3A_17 = arith.constant 128 : i32
    %dma_start3A_18 = arith.constant 0 : i32
    %dma_start3A_19 = tpu.memref_slice %arg9[%dma_start3A_17, %dma_start3A_18] : memref<768x128xf32, #tpu.memory_space<vmem>> -> memref<128x128xf32, #tpu.memory_space<vmem>>
    %dma_start3A_20 = arith.constant 0 : i32
    %dma_start3A_21 = tpu.memref_slice %arg8[%dma_start3A_15, %dma_start3A_16, %dma_start3A_20] : memref<3x2x128xi32, #tpu.memory_space<vmem>> -> memref<1x1x128xi32, #tpu.memory_space<vmem>>
    %dma_start3A_22 = tpu.memref_squeeze %dma_start3A_21 : memref<1x1x128xi32, #tpu.memory_space<vmem>> -> memref<128xi32, #tpu.memory_space<vmem>>
    %dma_start3A_23 = arith.constant 0 : i32
    %dma_start3A_24 = arith.constant 0 : i32
    %dma_start3A_25 = tpu.memref_slice %arg3[%dma_start3A_23, %dma_start3A_24] : memref<100000x128xf32, #tpu.memory_space<hbm>> -> memref<100000x128xf32, #tpu.memory_space<hbm>>
    tpu.enqueue_indirect_dma source(%dma_start3A_25 : memref<100000x128xf32, #tpu.memory_space<hbm>>) target(%dma_start3A_19 : memref<128x128xf32, #tpu.memory_space<vmem>>) offsets(%dma_start3A_22 : memref<128xi32, #tpu.memory_space<vmem>>) semaphore(%arg10 : memref<!tpu.dma_semaphore, #tpu.memory_space<semaphore_mem>>)
    %dma_start3A_26 = arith.constant 1 : i32
    %dma_start3A_27 = arith.constant 0 : i32
    %dma_start3A_28 = arith.constant 256 : i32
    %dma_start3A_29 = arith.constant 0 : i32
    %dma_start3A_30 = tpu.memref_slice %arg9[%dma_start3A_28, %dma_start3A_29] : memref<768x128xf32, #tpu.memory_space<vmem>> -> memref<128x128xf32, #tpu.memory_space<vmem>>
    %dma_start3A_31 = arith.constant 0 : i32
    %dma_start3A_32 = tpu.memref_slice %arg8[%dma_start3A_26, %dma_start3A_27, %dma_start3A_31] : memref<3x2x128xi32, #tpu.memory_space<vmem>> -> memref<1x1x128xi32, #tpu.memory_space<vmem>>
    %dma_start3A_33 = tpu.memref_squeeze %dma_start3A_32 : memref<1x1x128xi32, #tpu.memory_space<vmem>> -> memref<128xi32, #tpu.memory_space<vmem>>
    %dma_start3A_34 = arith.constant 0 : i32
    %dma_start3A_35 = arith.constant 0 : i32
    %dma_start3A_36 = tpu.memref_slice %arg4[%dma_start3A_34, %dma_start3A_35] : memref<100000x128xf32, #tpu.memory_space<hbm>> -> memref<100000x128xf32, #tpu.memory_space<hbm>>
    tpu.enqueue_indirect_dma source(%dma_start3A_36 : memref<100000x128xf32, #tpu.memory_space<hbm>>) target(%dma_start3A_30 : memref<128x128xf32, #tpu.memory_space<vmem>>) offsets(%dma_start3A_33 : memref<128xi32, #tpu.memory_space<vmem>>) semaphore(%arg10 : memref<!tpu.dma_semaphore, #tpu.memory_space<semaphore_mem>>)
    %dma_start3A_37 = arith.constant 1 : i32
    %dma_start3A_38 = arith.constant 1 : i32
    %dma_start3A_39 = arith.constant 384 : i32
    %dma_start3A_40 = arith.constant 0 : i32
    %dma_start3A_41 = tpu.memref_slice %arg9[%dma_start3A_39, %dma_start3A_40] : memref<768x128xf32, #tpu.memory_space<vmem>> -> memref<128x128xf32, #tpu.memory_space<vmem>>
    %dma_start3A_42 = arith.constant 0 : i32
    %dma_start3A_43 = tpu.memref_slice %arg8[%dma_start3A_37, %dma_start3A_38, %dma_start3A_42] : memref<3x2x128xi32, #tpu.memory_space<vmem>> -> memref<1x1x128xi32, #tpu.memory_space<vmem>>
    %dma_start3A_44 = tpu.memref_squeeze %dma_start3A_43 : memref<1x1x128xi32, #tpu.memory_space<vmem>> -> memref<128xi32, #tpu.memory_space<vmem>>
    %dma_start3A_45 = arith.constant 0 : i32
    %dma_start3A_46 = arith.constant 0 : i32
    %dma_start3A_47 = tpu.memref_slice %arg4[%dma_start3A_45, %dma_start3A_46] : memref<100000x128xf32, #tpu.memory_space<hbm>> -> memref<100000x128xf32, #tpu.memory_space<hbm>>
    tpu.enqueue_indirect_dma source(%dma_start3A_47 : memref<100000x128xf32, #tpu.memory_space<hbm>>) target(%dma_start3A_41 : memref<128x128xf32, #tpu.memory_space<vmem>>) offsets(%dma_start3A_44 : memref<128xi32, #tpu.memory_space<vmem>>) semaphore(%arg10 : memref<!tpu.dma_semaphore, #tpu.memory_space<semaphore_mem>>)
    %dma_start3A_48 = arith.constant 2 : i32
    %dma_start3A_49 = arith.constant 0 : i32
    %dma_start3A_50 = arith.constant 512 : i32
    %dma_start3A_51 = arith.constant 0 : i32
    %dma_start3A_52 = tpu.memref_slice %arg9[%dma_start3A_50, %dma_start3A_51] : memref<768x128xf32, #tpu.memory_space<vmem>> -> memref<128x128xf32, #tpu.memory_space<vmem>>
    %dma_start3A_53 = arith.constant 0 : i32
    %dma_start3A_54 = tpu.memref_slice %arg8[%dma_start3A_48, %dma_start3A_49, %dma_start3A_53] : memref<3x2x128xi32, #tpu.memory_space<vmem>> -> memref<1x1x128xi32, #tpu.memory_space<vmem>>
    %dma_start3A_55 = tpu.memref_squeeze %dma_start3A_54 : memref<1x1x128xi32, #tpu.memory_space<vmem>> -> memref<128xi32, #tpu.memory_space<vmem>>
    %dma_start3A_56 = arith.constant 0 : i32
    %dma_start3A_57 = arith.constant 0 : i32
    %dma_start3A_58 = tpu.memref_slice %arg3[%dma_start3A_56, %dma_start3A_57] : memref<100000x128xf32, #tpu.memory_space<hbm>> -> memref<100000x128xf32, #tpu.memory_space<hbm>>
    tpu.enqueue_indirect_dma source(%dma_start3A_58 : memref<100000x128xf32, #tpu.memory_space<hbm>>) target(%dma_start3A_52 : memref<128x128xf32, #tpu.memory_space<vmem>>) offsets(%dma_start3A_55 : memref<128xi32, #tpu.memory_space<vmem>>) semaphore(%arg10 : memref<!tpu.dma_semaphore, #tpu.memory_space<semaphore_mem>>)
    %dma_start3A_59 = arith.constant 2 : i32
    %dma_start3A_60 = arith.constant 1 : i32
    %dma_start3A_61 = arith.constant 640 : i32
    %dma_start3A_62 = arith.constant 0 : i32
    %dma_start3A_63 = tpu.memref_slice %arg9[%dma_start3A_61, %dma_start3A_62] : memref<768x128xf32, #tpu.memory_space<vmem>> -> memref<128x128xf32, #tpu.memory_space<vmem>>
    %dma_start3A_64 = arith.constant 0 : i32
    %dma_start3A_65 = tpu.memref_slice %arg8[%dma_start3A_59, %dma_start3A_60, %dma_start3A_64] : memref<3x2x128xi32, #tpu.memory_space<vmem>> -> memref<1x1x128xi32, #tpu.memory_space<vmem>>
    %dma_start3A_66 = tpu.memref_squeeze %dma_start3A_65 : memref<1x1x128xi32, #tpu.memory_space<vmem>> -> memref<128xi32, #tpu.memory_space<vmem>>
    %dma_start3A_67 = arith.constant 0 : i32
    %dma_start3A_68 = arith.constant 0 : i32
    %dma_start3A_69 = tpu.memref_slice %arg3[%dma_start3A_67, %dma_start3A_68] : memref<100000x128xf32, #tpu.memory_space<hbm>> -> memref<100000x128xf32, #tpu.memory_space<hbm>>
    tpu.enqueue_indirect_dma source(%dma_start3A_69 : memref<100000x128xf32, #tpu.memory_space<hbm>>) target(%dma_start3A_63 : memref<128x128xf32, #tpu.memory_space<vmem>>) offsets(%dma_start3A_66 : memref<128xi32, #tpu.memory_space<vmem>>) semaphore(%arg10 : memref<!tpu.dma_semaphore, #tpu.memory_space<semaphore_mem>>)
    %dma_wait3A = arith.constant 0 : i32
    %dma_wait3A_70 = arith.constant 0 : i32
    %dma_wait3A_71 = arith.constant 0 : i32
    %dma_wait3A_72 = arith.constant 0 : i32
    %dma_wait3A_73 = tpu.memref_slice %arg9[%dma_wait3A_71, %dma_wait3A_72] : memref<768x128xf32, #tpu.memory_space<vmem>> -> memref<128x128xf32, #tpu.memory_space<vmem>>
    %dma_wait3A_74 = arith.constant 0 : i32
    %dma_wait3A_75 = tpu.memref_slice %arg8[%dma_wait3A, %dma_wait3A_70, %dma_wait3A_74] : memref<3x2x128xi32, #tpu.memory_space<vmem>> -> memref<1x1x128xi32, #tpu.memory_space<vmem>>
    %dma_wait3A_76 = tpu.memref_squeeze %dma_wait3A_75 : memref<1x1x128xi32, #tpu.memory_space<vmem>> -> memref<128xi32, #tpu.memory_space<vmem>>
    %dma_wait3A_77 = arith.constant 0 : i32
    %dma_wait3A_78 = arith.constant 0 : i32
    %dma_wait3A_79 = tpu.memref_slice %arg3[%dma_wait3A_77, %dma_wait3A_78] : memref<100000x128xf32, #tpu.memory_space<hbm>> -> memref<100000x128xf32, #tpu.memory_space<hbm>>
    tpu.wait_indirect_dma semaphore(%arg10 : memref<!tpu.dma_semaphore, #tpu.memory_space<semaphore_mem>>) src(%dma_wait3A_79 : memref<100000x128xf32, #tpu.memory_space<hbm>>) dst(%dma_wait3A_73 : memref<128x128xf32, #tpu.memory_space<vmem>>)
    %dma_wait3A_80 = arith.constant 0 : i32
    %dma_wait3A_81 = arith.constant 1 : i32
    %dma_wait3A_82 = arith.constant 128 : i32
    %dma_wait3A_83 = arith.constant 0 : i32
    %dma_wait3A_84 = tpu.memref_slice %arg9[%dma_wait3A_82, %dma_wait3A_83] : memref<768x128xf32, #tpu.memory_space<vmem>> -> memref<128x128xf32, #tpu.memory_space<vmem>>
    %dma_wait3A_85 = arith.constant 0 : i32
    %dma_wait3A_86 = tpu.memref_slice %arg8[%dma_wait3A_80, %dma_wait3A_81, %dma_wait3A_85] : memref<3x2x128xi32, #tpu.memory_space<vmem>> -> memref<1x1x128xi32, #tpu.memory_space<vmem>>
    %dma_wait3A_87 = tpu.memref_squeeze %dma_wait3A_86 : memref<1x1x128xi32, #tpu.memory_space<vmem>> -> memref<128xi32, #tpu.memory_space<vmem>>
    %dma_wait3A_88 = arith.constant 0 : i32
    %dma_wait3A_89 = arith.constant 0 : i32
    %dma_wait3A_90 = tpu.memref_slice %arg3[%dma_wait3A_88, %dma_wait3A_89] : memref<100000x128xf32, #tpu.memory_space<hbm>> -> memref<100000x128xf32, #tpu.memory_space<hbm>>
    tpu.wait_indirect_dma semaphore(%arg10 : memref<!tpu.dma_semaphore, #tpu.memory_space<semaphore_mem>>) src(%dma_wait3A_90 : memref<100000x128xf32, #tpu.memory_space<hbm>>) dst(%dma_wait3A_84 : memref<128x128xf32, #tpu.memory_space<vmem>>)
    %dma_wait3A_91 = arith.constant 1 : i32
    %dma_wait3A_92 = arith.constant 0 : i32
    %dma_wait3A_93 = arith.constant 256 : i32
    %dma_wait3A_94 = arith.constant 0 : i32
    %dma_wait3A_95 = tpu.memref_slice %arg9[%dma_wait3A_93, %dma_wait3A_94] : memref<768x128xf32, #tpu.memory_space<vmem>> -> memref<128x128xf32, #tpu.memory_space<vmem>>
    %dma_wait3A_96 = arith.constant 0 : i32
    %dma_wait3A_97 = tpu.memref_slice %arg8[%dma_wait3A_91, %dma_wait3A_92, %dma_wait3A_96] : memref<3x2x128xi32, #tpu.memory_space<vmem>> -> memref<1x1x128xi32, #tpu.memory_space<vmem>>
    %dma_wait3A_98 = tpu.memref_squeeze %dma_wait3A_97 : memref<1x1x128xi32, #tpu.memory_space<vmem>> -> memref<128xi32, #tpu.memory_space<vmem>>
    %dma_wait3A_99 = arith.constant 0 : i32
    %dma_wait3A_100 = arith.constant 0 : i32
    %dma_wait3A_101 = tpu.memref_slice %arg4[%dma_wait3A_99, %dma_wait3A_100] : memref<100000x128xf32, #tpu.memory_space<hbm>> -> memref<100000x128xf32, #tpu.memory_space<hbm>>
    tpu.wait_indirect_dma semaphore(%arg10 : memref<!tpu.dma_semaphore, #tpu.memory_space<semaphore_mem>>) src(%dma_wait3A_101 : memref<100000x128xf32, #tpu.memory_space<hbm>>) dst(%dma_wait3A_95 : memref<128x128xf32, #tpu.memory_space<vmem>>)
    %dma_wait3A_102 = arith.constant 1 : i32
    %dma_wait3A_103 = arith.constant 1 : i32
    %dma_wait3A_104 = arith.constant 384 : i32
    %dma_wait3A_105 = arith.constant 0 : i32
    %dma_wait3A_106 = tpu.memref_slice %arg9[%dma_wait3A_104, %dma_wait3A_105] : memref<768x128xf32, #tpu.memory_space<vmem>> -> memref<128x128xf32, #tpu.memory_space<vmem>>
    %dma_wait3A_107 = arith.constant 0 : i32
    %dma_wait3A_108 = tpu.memref_slice %arg8[%dma_wait3A_102, %dma_wait3A_103, %dma_wait3A_107] : memref<3x2x128xi32, #tpu.memory_space<vmem>> -> memref<1x1x128xi32, #tpu.memory_space<vmem>>
    %dma_wait3A_109 = tpu.memref_squeeze %dma_wait3A_108 : memref<1x1x128xi32, #tpu.memory_space<vmem>> -> memref<128xi32, #tpu.memory_space<vmem>>
    %dma_wait3A_110 = arith.constant 0 : i32
    %dma_wait3A_111 = arith.constant 0 : i32
    %dma_wait3A_112 = tpu.memref_slice %arg4[%dma_wait3A_110, %dma_wait3A_111] : memref<100000x128xf32, #tpu.memory_space<hbm>> -> memref<100000x128xf32, #tpu.memory_space<hbm>>
    tpu.wait_indirect_dma semaphore(%arg10 : memref<!tpu.dma_semaphore, #tpu.memory_space<semaphore_mem>>) src(%dma_wait3A_112 : memref<100000x128xf32, #tpu.memory_space<hbm>>) dst(%dma_wait3A_106 : memref<128x128xf32, #tpu.memory_space<vmem>>)
    %dma_wait3A_113 = arith.constant 2 : i32
    %dma_wait3A_114 = arith.constant 0 : i32
    %dma_wait3A_115 = arith.constant 512 : i32
    %dma_wait3A_116 = arith.constant 0 : i32
    %dma_wait3A_117 = tpu.memref_slice %arg9[%dma_wait3A_115, %dma_wait3A_116] : memref<768x128xf32, #tpu.memory_space<vmem>> -> memref<128x128xf32, #tpu.memory_space<vmem>>
    %dma_wait3A_118 = arith.constant 0 : i32
    %dma_wait3A_119 = tpu.memref_slice %arg8[%dma_wait3A_113, %dma_wait3A_114, %dma_wait3A_118] : memref<3x2x128xi32, #tpu.memory_space<vmem>> -> memref<1x1x128xi32, #tpu.memory_space<vmem>>
    %dma_wait3A_120 = tpu.memref_squeeze %dma_wait3A_119 : memref<1x1x128xi32, #tpu.memory_space<vmem>> -> memref<128xi32, #tpu.memory_space<vmem>>
    %dma_wait3A_121 = arith.constant 0 : i32
    %dma_wait3A_122 = arith.constant 0 : i32
    %dma_wait3A_123 = tpu.memref_slice %arg3[%dma_wait3A_121, %dma_wait3A_122] : memref<100000x128xf32, #tpu.memory_space<hbm>> -> memref<100000x128xf32, #tpu.memory_space<hbm>>
    tpu.wait_indirect_dma semaphore(%arg10 : memref<!tpu.dma_semaphore, #tpu.memory_space<semaphore_mem>>) src(%dma_wait3A_123 : memref<100000x128xf32, #tpu.memory_space<hbm>>) dst(%dma_wait3A_117 : memref<128x128xf32, #tpu.memory_space<vmem>>)
    %dma_wait3A_124 = arith.constant 2 : i32
    %dma_wait3A_125 = arith.constant 1 : i32
    %dma_wait3A_126 = arith.constant 640 : i32
    %dma_wait3A_127 = arith.constant 0 : i32
    %dma_wait3A_128 = tpu.memref_slice %arg9[%dma_wait3A_126, %dma_wait3A_127] : memref<768x128xf32, #tpu.memory_space<vmem>> -> memref<128x128xf32, #tpu.memory_space<vmem>>
    %dma_wait3A_129 = arith.constant 0 : i32
    %dma_wait3A_130 = tpu.memref_slice %arg8[%dma_wait3A_124, %dma_wait3A_125, %dma_wait3A_129] : memref<3x2x128xi32, #tpu.memory_space<vmem>> -> memref<1x1x128xi32, #tpu.memory_space<vmem>>
    %dma_wait3A_131 = tpu.memref_squeeze %dma_wait3A_130 : memref<1x1x128xi32, #tpu.memory_space<vmem>> -> memref<128xi32, #tpu.memory_space<vmem>>
    %dma_wait3A_132 = arith.constant 0 : i32
    %dma_wait3A_133 = arith.constant 0 : i32
    %dma_wait3A_134 = tpu.memref_slice %arg3[%dma_wait3A_132, %dma_wait3A_133] : memref<100000x128xf32, #tpu.memory_space<hbm>> -> memref<100000x128xf32, #tpu.memory_space<hbm>>
    tpu.wait_indirect_dma semaphore(%arg10 : memref<!tpu.dma_semaphore, #tpu.memory_space<semaphore_mem>>) src(%dma_wait3A_134 : memref<100000x128xf32, #tpu.memory_space<hbm>>) dst(%dma_wait3A_128 : memref<128x128xf32, #tpu.memory_space<vmem>>)
    %dma_start3A_135 = arith.constant 0 : i32
    %dma_start3A_136 = arith.constant 0 : i32
    %dma_start3A_137 = tpu.memref_slice %arg9[%dma_start3A_135, %dma_start3A_136] : memref<768x128xf32, #tpu.memory_space<vmem>> -> memref<256x128xf32, #tpu.memory_space<vmem>>
    %dma_start3A_138 = arith.constant 0 : i32
    %dma_start3A_139 = tpu.memref_slice %arg5[%mul3A_4, %dma_start3A_138] : memref<8192x128xf32, #tpu.memory_space<hbm>> -> memref<256x128xf32, #tpu.memory_space<hbm>>
    %dma_start3A_140 = arith.constant 0 : i32
    %dma_start3A_141 = tpu.memref_slice %arg5[%mul3A_4, %dma_start3A_140] : memref<8192x128xf32, #tpu.memory_space<hbm>> -> memref<256x128xf32, #tpu.memory_space<hbm>>
    %dma_start3A_142 = arith.constant 0 : i32
    %dma_start3A_143 = arith.constant 0 : i32
    %dma_start3A_144 = tpu.memref_slice %arg9[%dma_start3A_142, %dma_start3A_143] : memref<768x128xf32, #tpu.memory_space<vmem>> -> memref<256x128xf32, #tpu.memory_space<vmem>>
    tpu.enqueue_dma source(%dma_start3A_144 : memref<256x128xf32, #tpu.memory_space<vmem>>) target(%dma_start3A_141 : memref<256x128xf32, #tpu.memory_space<hbm>>) target_semaphore(%arg11 : memref<!tpu.dma_semaphore, #tpu.memory_space<semaphore_mem>>)
    %dma_start3A_145 = arith.constant 256 : i32
    %dma_start3A_146 = arith.constant 0 : i32
    %dma_start3A_147 = tpu.memref_slice %arg9[%dma_start3A_145, %dma_start3A_146] : memref<768x128xf32, #tpu.memory_space<vmem>> -> memref<256x128xf32, #tpu.memory_space<vmem>>
    %dma_start3A_148 = arith.constant 0 : i32
    %dma_start3A_149 = tpu.memref_slice %arg6[%mul3A_4, %dma_start3A_148] : memref<8192x128xf32, #tpu.memory_space<hbm>> -> memref<256x128xf32, #tpu.memory_space<hbm>>
    %dma_start3A_150 = arith.constant 0 : i32
    %dma_start3A_151 = tpu.memref_slice %arg6[%mul3A_4, %dma_start3A_150] : memref<8192x128xf32, #tpu.memory_space<hbm>> -> memref<256x128xf32, #tpu.memory_space<hbm>>
    %dma_start3A_152 = arith.constant 256 : i32
    %dma_start3A_153 = arith.constant 0 : i32
    %dma_start3A_154 = tpu.memref_slice %arg9[%dma_start3A_152, %dma_start3A_153] : memref<768x128xf32, #tpu.memory_space<vmem>> -> memref<256x128xf32, #tpu.memory_space<vmem>>
    tpu.enqueue_dma source(%dma_start3A_154 : memref<256x128xf32, #tpu.memory_space<vmem>>) target(%dma_start3A_151 : memref<256x128xf32, #tpu.memory_space<hbm>>) target_semaphore(%arg11 : memref<!tpu.dma_semaphore, #tpu.memory_space<semaphore_mem>>)
    %dma_start3A_155 = arith.constant 512 : i32
    %dma_start3A_156 = arith.constant 0 : i32
    %dma_start3A_157 = tpu.memref_slice %arg9[%dma_start3A_155, %dma_start3A_156] : memref<768x128xf32, #tpu.memory_space<vmem>> -> memref<256x128xf32, #tpu.memory_space<vmem>>
    %dma_start3A_158 = arith.constant 0 : i32
    %dma_start3A_159 = tpu.memref_slice %arg7[%mul3A_4, %dma_start3A_158] : memref<8192x128xf32, #tpu.memory_space<hbm>> -> memref<256x128xf32, #tpu.memory_space<hbm>>
    %dma_start3A_160 = arith.constant 0 : i32
    %dma_start3A_161 = tpu.memref_slice %arg7[%mul3A_4, %dma_start3A_160] : memref<8192x128xf32, #tpu.memory_space<hbm>> -> memref<256x128xf32, #tpu.memory_space<hbm>>
    %dma_start3A_162 = arith.constant 512 : i32
    %dma_start3A_163 = arith.constant 0 : i32
    %dma_start3A_164 = tpu.memref_slice %arg9[%dma_start3A_162, %dma_start3A_163] : memref<768x128xf32, #tpu.memory_space<vmem>> -> memref<256x128xf32, #tpu.memory_space<vmem>>
    tpu.enqueue_dma source(%dma_start3A_164 : memref<256x128xf32, #tpu.memory_space<vmem>>) target(%dma_start3A_161 : memref<256x128xf32, #tpu.memory_space<hbm>>) target_semaphore(%arg11 : memref<!tpu.dma_semaphore, #tpu.memory_space<semaphore_mem>>)
    %dma_wait3A_165 = arith.constant 0 : i32
    %dma_wait3A_166 = arith.constant 0 : i32
    %dma_wait3A_167 = tpu.memref_slice %arg9[%dma_wait3A_165, %dma_wait3A_166] : memref<768x128xf32, #tpu.memory_space<vmem>> -> memref<256x128xf32, #tpu.memory_space<vmem>>
    %dma_wait3A_168 = arith.constant 0 : i32
    %dma_wait3A_169 = tpu.memref_slice %arg5[%mul3A_4, %dma_wait3A_168] : memref<8192x128xf32, #tpu.memory_space<hbm>> -> memref<256x128xf32, #tpu.memory_space<hbm>>
    %dma_wait3A_170 = arith.constant 0 : i32
    %dma_wait3A_171 = tpu.memref_slice %arg5[%mul3A_4, %dma_wait3A_170] : memref<8192x128xf32, #tpu.memory_space<hbm>> -> memref<256x128xf32, #tpu.memory_space<hbm>>
    %dma_wait3A_172 = arith.constant 0 : i32
    %dma_wait3A_173 = arith.constant 0 : i32
    %dma_wait3A_174 = tpu.memref_slice %arg9[%dma_wait3A_172, %dma_wait3A_173] : memref<768x128xf32, #tpu.memory_space<vmem>> -> memref<256x128xf32, #tpu.memory_space<vmem>>
    tpu.wait_dma2 semaphore(%arg11 : memref<!tpu.dma_semaphore, #tpu.memory_space<semaphore_mem>>) src(%dma_wait3A_174 : memref<256x128xf32, #tpu.memory_space<vmem>>) dst(%dma_wait3A_171 : memref<256x128xf32, #tpu.memory_space<hbm>>)
    %dma_wait3A_175 = arith.constant 256 : i32
    %dma_wait3A_176 = arith.constant 0 : i32
    %dma_wait3A_177 = tpu.memref_slice %arg9[%dma_wait3A_175, %dma_wait3A_176] : memref<768x128xf32, #tpu.memory_space<vmem>> -> memref<256x128xf32, #tpu.memory_space<vmem>>
    %dma_wait3A_178 = arith.constant 0 : i32
    %dma_wait3A_179 = tpu.memref_slice %arg6[%mul3A_4, %dma_wait3A_178] : memref<8192x128xf32, #tpu.memory_space<hbm>> -> memref<256x128xf32, #tpu.memory_space<hbm>>
    %dma_wait3A_180 = arith.constant 0 : i32
    %dma_wait3A_181 = tpu.memref_slice %arg6[%mul3A_4, %dma_wait3A_180] : memref<8192x128xf32, #tpu.memory_space<hbm>> -> memref<256x128xf32, #tpu.memory_space<hbm>>
    %dma_wait3A_182 = arith.constant 256 : i32
    %dma_wait3A_183 = arith.constant 0 : i32
    %dma_wait3A_184 = tpu.memref_slice %arg9[%dma_wait3A_182, %dma_wait3A_183] : memref<768x128xf32, #tpu.memory_space<vmem>> -> memref<256x128xf32, #tpu.memory_space<vmem>>
    tpu.wait_dma2 semaphore(%arg11 : memref<!tpu.dma_semaphore, #tpu.memory_space<semaphore_mem>>) src(%dma_wait3A_184 : memref<256x128xf32, #tpu.memory_space<vmem>>) dst(%dma_wait3A_181 : memref<256x128xf32, #tpu.memory_space<hbm>>)
    %dma_wait3A_185 = arith.constant 512 : i32
    %dma_wait3A_186 = arith.constant 0 : i32
    %dma_wait3A_187 = tpu.memref_slice %arg9[%dma_wait3A_185, %dma_wait3A_186] : memref<768x128xf32, #tpu.memory_space<vmem>> -> memref<256x128xf32, #tpu.memory_space<vmem>>
    %dma_wait3A_188 = arith.constant 0 : i32
    %dma_wait3A_189 = tpu.memref_slice %arg7[%mul3A_4, %dma_wait3A_188] : memref<8192x128xf32, #tpu.memory_space<hbm>> -> memref<256x128xf32, #tpu.memory_space<hbm>>
    %dma_wait3A_190 = arith.constant 0 : i32
    %dma_wait3A_191 = tpu.memref_slice %arg7[%mul3A_4, %dma_wait3A_190] : memref<8192x128xf32, #tpu.memory_space<hbm>> -> memref<256x128xf32, #tpu.memory_space<hbm>>
    %dma_wait3A_192 = arith.constant 512 : i32
    %dma_wait3A_193 = arith.constant 0 : i32
    %dma_wait3A_194 = tpu.memref_slice %arg9[%dma_wait3A_192, %dma_wait3A_193] : memref<768x128xf32, #tpu.memory_space<vmem>> -> memref<256x128xf32, #tpu.memory_space<vmem>>
    tpu.wait_dma2 semaphore(%arg11 : memref<!tpu.dma_semaphore, #tpu.memory_space<semaphore_mem>>) src(%dma_wait3A_194 : memref<256x128xf32, #tpu.memory_space<vmem>>) dst(%dma_wait3A_191 : memref<256x128xf32, #tpu.memory_space<hbm>>)
    return
  }
}

#map = affine_map<(d0, d1) -> (0, 0, 0)>
#map1 = affine_map<(d0, d1) -> (0, 0)>
module attributes {stable_mosaic.version = 14 : i64} {
  func.func @gather_kernel(%arg0: i32, %arg1: i32, %arg2: memref<3x64x128xi32, #tpu.memory_space<hbm>>, %arg3: memref<100000x128xf32, #tpu.memory_space<hbm>>, %arg4: memref<100000x128xf32, #tpu.memory_space<hbm>>, %arg5: memref<8192x128xf32, #tpu.memory_space<hbm>>, %arg6: memref<8192x128xf32, #tpu.memory_space<hbm>>, %arg7: memref<8192x128xf32, #tpu.memory_space<hbm>>, %arg8: memref<3x2x128xi32, #tpu.memory_space<vmem>>, %arg9: memref<768x128xf32, #tpu.memory_space<vmem>>, %arg10: memref<!tpu.dma_semaphore, #tpu.memory_space<semaphore_mem>>, %arg11: memref<!tpu.dma_semaphore, #tpu.memory_space<semaphore_mem>>) attributes {dimension_semantics = [#tpu.dimension_semantics<core_parallel>, #tpu.dimension_semantics<subcore_parallel>], iteration_bounds = array<i64: 2, 16>, scalar_prefetch = 0 : i64, scratch_operands = 4 : i64, tpu.core_type = #tpu.core_type<sc_vector_subcore>, window_params = [{transform_indices = #map}, {transform_indices = #map1}, {transform_indices = #map1}, {transform_indices = #map1}, {transform_indices = #map1}, {transform_indices = #map1}]} {
    %mul3A = arith.constant 2 : i32
    %mul3A_0 = arith.muli %arg1, %mul3A : i32
    %add3A = arith.addi %mul3A_0, %arg0 : i32
    %mul3A_1 = arith.constant 2 : i32
    %mul3A_2 = arith.muli %add3A, %mul3A_1 : i32
    %mul3A_3 = arith.constant 256 : i32
    %mul3A_4 = arith.muli %add3A, %mul3A_3 : i32
    "tpu.region"() ({
      %run_scoped3A = tpu.sem_alloc : memref<!tpu.dma_semaphore, #tpu.memory_space<semaphore_mem>>
      %dma_start3A_195 = arith.constant 0 : i32
      %dma_start3A_196 = arith.constant 0 : i32
      %dma_start3A_197 = tpu.memref_slice %arg2[%dma_start3A_195, %mul3A_2, %dma_start3A_196] : memref<3x64x128xi32, #tpu.memory_space<hbm>> -> memref<3x2x128xi32, #tpu.memory_space<hbm>>
      %dma_start3A_198 = arith.constant 0 : i32
      %dma_start3A_199 = arith.constant 0 : i32
      %dma_start3A_200 = tpu.memref_slice %arg2[%dma_start3A_198, %mul3A_2, %dma_start3A_199] : memref<3x64x128xi32, #tpu.memory_space<hbm>> -> memref<3x2x128xi32, #tpu.memory_space<hbm>>
      tpu.enqueue_dma source(%dma_start3A_200 : memref<3x2x128xi32, #tpu.memory_space<hbm>>) target(%arg8 : memref<3x2x128xi32, #tpu.memory_space<vmem>>) target_semaphore(%run_scoped3A : memref<!tpu.dma_semaphore, #tpu.memory_space<semaphore_mem>>)
      %dma_wait3A_201 = arith.constant 0 : i32
      %dma_wait3A_202 = arith.constant 0 : i32
      %dma_wait3A_203 = tpu.memref_slice %arg2[%dma_wait3A_201, %mul3A_2, %dma_wait3A_202] : memref<3x64x128xi32, #tpu.memory_space<hbm>> -> memref<3x2x128xi32, #tpu.memory_space<hbm>>
      %dma_wait3A_204 = arith.constant 0 : i32
      %dma_wait3A_205 = arith.constant 0 : i32
      %dma_wait3A_206 = tpu.memref_slice %arg2[%dma_wait3A_204, %mul3A_2, %dma_wait3A_205] : memref<3x64x128xi32, #tpu.memory_space<hbm>> -> memref<3x2x128xi32, #tpu.memory_space<hbm>>
      tpu.wait_dma2 semaphore(%run_scoped3A : memref<!tpu.dma_semaphore, #tpu.memory_space<semaphore_mem>>) src(%dma_wait3A_206 : memref<3x2x128xi32, #tpu.memory_space<hbm>>) dst(%arg8 : memref<3x2x128xi32, #tpu.memory_space<vmem>>)
      tpu.yield
    }) : () -> ()
    %dma_start3A = arith.constant 0 : i32
    %dma_start3A_5 = arith.constant 0 : i32
    %dma_start3A_6 = arith.constant 0 : i32
    %dma_start3A_7 = arith.constant 0 : i32
    %dma_start3A_8 = tpu.memref_slice %arg9[%dma_start3A_6, %dma_start3A_7] : memref<768x128xf32, #tpu.memory_space<vmem>> -> memref<128x128xf32, #tpu.memory_space<vmem>>
    %dma_start3A_9 = arith.constant 0 : i32
    %dma_start3A_10 = tpu.memref_slice %arg8[%dma_start3A, %dma_start3A_5, %dma_start3A_9] : memref<3x2x128xi32, #tpu.memory_space<vmem>> -> memref<1x1x128xi32, #tpu.memory_space<vmem>>
    %dma_start3A_11 = tpu.memref_squeeze %dma_start3A_10 : memref<1x1x128xi32, #tpu.memory_space<vmem>> -> memref<128xi32, #tpu.memory_space<vmem>>
    %dma_start3A_12 = arith.constant 0 : i32
    %dma_start3A_13 = arith.constant 0 : i32
    %dma_start3A_14 = tpu.memref_slice %arg3[%dma_start3A_12, %dma_start3A_13] : memref<100000x128xf32, #tpu.memory_space<hbm>> -> memref<100000x128xf32, #tpu.memory_space<hbm>>
    tpu.enqueue_indirect_dma source(%dma_start3A_14 : memref<100000x128xf32, #tpu.memory_space<hbm>>) target(%dma_start3A_8 : memref<128x128xf32, #tpu.memory_space<vmem>>) offsets(%dma_start3A_11 : memref<128xi32, #tpu.memory_space<vmem>>) semaphore(%arg10 : memref<!tpu.dma_semaphore, #tpu.memory_space<semaphore_mem>>)
    %dma_start3A_15 = arith.constant 0 : i32
    %dma_start3A_16 = arith.constant 1 : i32
    %dma_start3A_17 = arith.constant 128 : i32
    %dma_start3A_18 = arith.constant 0 : i32
    %dma_start3A_19 = tpu.memref_slice %arg9[%dma_start3A_17, %dma_start3A_18] : memref<768x128xf32, #tpu.memory_space<vmem>> -> memref<128x128xf32, #tpu.memory_space<vmem>>
    %dma_start3A_20 = arith.constant 0 : i32
    %dma_start3A_21 = tpu.memref_slice %arg8[%dma_start3A_15, %dma_start3A_16, %dma_start3A_20] : memref<3x2x128xi32, #tpu.memory_space<vmem>> -> memref<1x1x128xi32, #tpu.memory_space<vmem>>
    %dma_start3A_22 = tpu.memref_squeeze %dma_start3A_21 : memref<1x1x128xi32, #tpu.memory_space<vmem>> -> memref<128xi32, #tpu.memory_space<vmem>>
    %dma_start3A_23 = arith.constant 0 : i32
    %dma_start3A_24 = arith.constant 0 : i32
    %dma_start3A_25 = tpu.memref_slice %arg3[%dma_start3A_23, %dma_start3A_24] : memref<100000x128xf32, #tpu.memory_space<hbm>> -> memref<100000x128xf32, #tpu.memory_space<hbm>>
    tpu.enqueue_indirect_dma source(%dma_start3A_25 : memref<100000x128xf32, #tpu.memory_space<hbm>>) target(%dma_start3A_19 : memref<128x128xf32, #tpu.memory_space<vmem>>) offsets(%dma_start3A_22 : memref<128xi32, #tpu.memory_space<vmem>>) semaphore(%arg10 : memref<!tpu.dma_semaphore, #tpu.memory_space<semaphore_mem>>)
    %dma_start3A_26 = arith.constant 1 : i32
    %dma_start3A_27 = arith.constant 0 : i32
    %dma_start3A_28 = arith.constant 256 : i32
    %dma_start3A_29 = arith.constant 0 : i32
    %dma_start3A_30 = tpu.memref_slice %arg9[%dma_start3A_28, %dma_start3A_29] : memref<768x128xf32, #tpu.memory_space<vmem>> -> memref<128x128xf32, #tpu.memory_space<vmem>>
    %dma_start3A_31 = arith.constant 0 : i32
    %dma_start3A_32 = tpu.memref_slice %arg8[%dma_start3A_26, %dma_start3A_27, %dma_start3A_31] : memref<3x2x128xi32, #tpu.memory_space<vmem>> -> memref<1x1x128xi32, #tpu.memory_space<vmem>>
    %dma_start3A_33 = tpu.memref_squeeze %dma_start3A_32 : memref<1x1x128xi32, #tpu.memory_space<vmem>> -> memref<128xi32, #tpu.memory_space<vmem>>
    %dma_start3A_34 = arith.constant 0 : i32
    %dma_start3A_35 = arith.constant 0 : i32
    %dma_start3A_36 = tpu.memref_slice %arg4[%dma_start3A_34, %dma_start3A_35] : memref<100000x128xf32, #tpu.memory_space<hbm>> -> memref<100000x128xf32, #tpu.memory_space<hbm>>
    tpu.enqueue_indirect_dma source(%dma_start3A_36 : memref<100000x128xf32, #tpu.memory_space<hbm>>) target(%dma_start3A_30 : memref<128x128xf32, #tpu.memory_space<vmem>>) offsets(%dma_start3A_33 : memref<128xi32, #tpu.memory_space<vmem>>) semaphore(%arg10 : memref<!tpu.dma_semaphore, #tpu.memory_space<semaphore_mem>>)
    %dma_start3A_37 = arith.constant 1 : i32
    %dma_start3A_38 = arith.constant 1 : i32
    %dma_start3A_39 = arith.constant 384 : i32
    %dma_start3A_40 = arith.constant 0 : i32
    %dma_start3A_41 = tpu.memref_slice %arg9[%dma_start3A_39, %dma_start3A_40] : memref<768x128xf32, #tpu.memory_space<vmem>> -> memref<128x128xf32, #tpu.memory_space<vmem>>
    %dma_start3A_42 = arith.constant 0 : i32
    %dma_start3A_43 = tpu.memref_slice %arg8[%dma_start3A_37, %dma_start3A_38, %dma_start3A_42] : memref<3x2x128xi32, #tpu.memory_space<vmem>> -> memref<1x1x128xi32, #tpu.memory_space<vmem>>
    %dma_start3A_44 = tpu.memref_squeeze %dma_start3A_43 : memref<1x1x128xi32, #tpu.memory_space<vmem>> -> memref<128xi32, #tpu.memory_space<vmem>>
    %dma_start3A_45 = arith.constant 0 : i32
    %dma_start3A_46 = arith.constant 0 : i32
    %dma_start3A_47 = tpu.memref_slice %arg4[%dma_start3A_45, %dma_start3A_46] : memref<100000x128xf32, #tpu.memory_space<hbm>> -> memref<100000x128xf32, #tpu.memory_space<hbm>>
    tpu.enqueue_indirect_dma source(%dma_start3A_47 : memref<100000x128xf32, #tpu.memory_space<hbm>>) target(%dma_start3A_41 : memref<128x128xf32, #tpu.memory_space<vmem>>) offsets(%dma_start3A_44 : memref<128xi32, #tpu.memory_space<vmem>>) semaphore(%arg10 : memref<!tpu.dma_semaphore, #tpu.memory_space<semaphore_mem>>)
    %dma_start3A_48 = arith.constant 2 : i32
    %dma_start3A_49 = arith.constant 0 : i32
    %dma_start3A_50 = arith.constant 512 : i32
    %dma_start3A_51 = arith.constant 0 : i32
    %dma_start3A_52 = tpu.memref_slice %arg9[%dma_start3A_50, %dma_start3A_51] : memref<768x128xf32, #tpu.memory_space<vmem>> -> memref<128x128xf32, #tpu.memory_space<vmem>>
    %dma_start3A_53 = arith.constant 0 : i32
    %dma_start3A_54 = tpu.memref_slice %arg8[%dma_start3A_48, %dma_start3A_49, %dma_start3A_53] : memref<3x2x128xi32, #tpu.memory_space<vmem>> -> memref<1x1x128xi32, #tpu.memory_space<vmem>>
    %dma_start3A_55 = tpu.memref_squeeze %dma_start3A_54 : memref<1x1x128xi32, #tpu.memory_space<vmem>> -> memref<128xi32, #tpu.memory_space<vmem>>
    %dma_start3A_56 = arith.constant 0 : i32
    %dma_start3A_57 = arith.constant 0 : i32
    %dma_start3A_58 = tpu.memref_slice %arg3[%dma_start3A_56, %dma_start3A_57] : memref<100000x128xf32, #tpu.memory_space<hbm>> -> memref<100000x128xf32, #tpu.memory_space<hbm>>
    tpu.enqueue_indirect_dma source(%dma_start3A_58 : memref<100000x128xf32, #tpu.memory_space<hbm>>) target(%dma_start3A_52 : memref<128x128xf32, #tpu.memory_space<vmem>>) offsets(%dma_start3A_55 : memref<128xi32, #tpu.memory_space<vmem>>) semaphore(%arg10 : memref<!tpu.dma_semaphore, #tpu.memory_space<semaphore_mem>>)
    %dma_start3A_59 = arith.constant 2 : i32
    %dma_start3A_60 = arith.constant 1 : i32
    %dma_start3A_61 = arith.constant 640 : i32
    %dma_start3A_62 = arith.constant 0 : i32
    %dma_start3A_63 = tpu.memref_slice %arg9[%dma_start3A_61, %dma_start3A_62] : memref<768x128xf32, #tpu.memory_space<vmem>> -> memref<128x128xf32, #tpu.memory_space<vmem>>
    %dma_start3A_64 = arith.constant 0 : i32
    %dma_start3A_65 = tpu.memref_slice %arg8[%dma_start3A_59, %dma_start3A_60, %dma_start3A_64] : memref<3x2x128xi32, #tpu.memory_space<vmem>> -> memref<1x1x128xi32, #tpu.memory_space<vmem>>
    %dma_start3A_66 = tpu.memref_squeeze %dma_start3A_65 : memref<1x1x128xi32, #tpu.memory_space<vmem>> -> memref<128xi32, #tpu.memory_space<vmem>>
    %dma_start3A_67 = arith.constant 0 : i32
    %dma_start3A_68 = arith.constant 0 : i32
    %dma_start3A_69 = tpu.memref_slice %arg3[%dma_start3A_67, %dma_start3A_68] : memref<100000x128xf32, #tpu.memory_space<hbm>> -> memref<100000x128xf32, #tpu.memory_space<hbm>>
    tpu.enqueue_indirect_dma source(%dma_start3A_69 : memref<100000x128xf32, #tpu.memory_space<hbm>>) target(%dma_start3A_63 : memref<128x128xf32, #tpu.memory_space<vmem>>) offsets(%dma_start3A_66 : memref<128xi32, #tpu.memory_space<vmem>>) semaphore(%arg10 : memref<!tpu.dma_semaphore, #tpu.memory_space<semaphore_mem>>)
    %dma_wait3A = arith.constant 0 : i32
    %dma_wait3A_70 = arith.constant 0 : i32
    %dma_wait3A_71 = arith.constant 0 : i32
    %dma_wait3A_72 = arith.constant 0 : i32
    %dma_wait3A_73 = tpu.memref_slice %arg9[%dma_wait3A_71, %dma_wait3A_72] : memref<768x128xf32, #tpu.memory_space<vmem>> -> memref<128x128xf32, #tpu.memory_space<vmem>>
    %dma_wait3A_74 = arith.constant 0 : i32
    %dma_wait3A_75 = tpu.memref_slice %arg8[%dma_wait3A, %dma_wait3A_70, %dma_wait3A_74] : memref<3x2x128xi32, #tpu.memory_space<vmem>> -> memref<1x1x128xi32, #tpu.memory_space<vmem>>
    %dma_wait3A_76 = tpu.memref_squeeze %dma_wait3A_75 : memref<1x1x128xi32, #tpu.memory_space<vmem>> -> memref<128xi32, #tpu.memory_space<vmem>>
    %dma_wait3A_77 = arith.constant 0 : i32
    %dma_wait3A_78 = arith.constant 0 : i32
    %dma_wait3A_79 = tpu.memref_slice %arg3[%dma_wait3A_77, %dma_wait3A_78] : memref<100000x128xf32, #tpu.memory_space<hbm>> -> memref<100000x128xf32, #tpu.memory_space<hbm>>
    tpu.wait_indirect_dma semaphore(%arg10 : memref<!tpu.dma_semaphore, #tpu.memory_space<semaphore_mem>>) src(%dma_wait3A_79 : memref<100000x128xf32, #tpu.memory_space<hbm>>) dst(%dma_wait3A_73 : memref<128x128xf32, #tpu.memory_space<vmem>>)
    %dma_wait3A_80 = arith.constant 0 : i32
    %dma_wait3A_81 = arith.constant 1 : i32
    %dma_wait3A_82 = arith.constant 128 : i32
    %dma_wait3A_83 = arith.constant 0 : i32
    %dma_wait3A_84 = tpu.memref_slice %arg9[%dma_wait3A_82, %dma_wait3A_83] : memref<768x128xf32, #tpu.memory_space<vmem>> -> memref<128x128xf32, #tpu.memory_space<vmem>>
    %dma_wait3A_85 = arith.constant 0 : i32
    %dma_wait3A_86 = tpu.memref_slice %arg8[%dma_wait3A_80, %dma_wait3A_81, %dma_wait3A_85] : memref<3x2x128xi32, #tpu.memory_space<vmem>> -> memref<1x1x128xi32, #tpu.memory_space<vmem>>
    %dma_wait3A_87 = tpu.memref_squeeze %dma_wait3A_86 : memref<1x1x128xi32, #tpu.memory_space<vmem>> -> memref<128xi32, #tpu.memory_space<vmem>>
    %dma_wait3A_88 = arith.constant 0 : i32
    %dma_wait3A_89 = arith.constant 0 : i32
    %dma_wait3A_90 = tpu.memref_slice %arg3[%dma_wait3A_88, %dma_wait3A_89] : memref<100000x128xf32, #tpu.memory_space<hbm>> -> memref<100000x128xf32, #tpu.memory_space<hbm>>
    tpu.wait_indirect_dma semaphore(%arg10 : memref<!tpu.dma_semaphore, #tpu.memory_space<semaphore_mem>>) src(%dma_wait3A_90 : memref<100000x128xf32, #tpu.memory_space<hbm>>) dst(%dma_wait3A_84 : memref<128x128xf32, #tpu.memory_space<vmem>>)
    %dma_wait3A_91 = arith.constant 1 : i32
    %dma_wait3A_92 = arith.constant 0 : i32
    %dma_wait3A_93 = arith.constant 256 : i32
    %dma_wait3A_94 = arith.constant 0 : i32
    %dma_wait3A_95 = tpu.memref_slice %arg9[%dma_wait3A_93, %dma_wait3A_94] : memref<768x128xf32, #tpu.memory_space<vmem>> -> memref<128x128xf32, #tpu.memory_space<vmem>>
    %dma_wait3A_96 = arith.constant 0 : i32
    %dma_wait3A_97 = tpu.memref_slice %arg8[%dma_wait3A_91, %dma_wait3A_92, %dma_wait3A_96] : memref<3x2x128xi32, #tpu.memory_space<vmem>> -> memref<1x1x128xi32, #tpu.memory_space<vmem>>
    %dma_wait3A_98 = tpu.memref_squeeze %dma_wait3A_97 : memref<1x1x128xi32, #tpu.memory_space<vmem>> -> memref<128xi32, #tpu.memory_space<vmem>>
    %dma_wait3A_99 = arith.constant 0 : i32
    %dma_wait3A_100 = arith.constant 0 : i32
    %dma_wait3A_101 = tpu.memref_slice %arg4[%dma_wait3A_99, %dma_wait3A_100] : memref<100000x128xf32, #tpu.memory_space<hbm>> -> memref<100000x128xf32, #tpu.memory_space<hbm>>
    tpu.wait_indirect_dma semaphore(%arg10 : memref<!tpu.dma_semaphore, #tpu.memory_space<semaphore_mem>>) src(%dma_wait3A_101 : memref<100000x128xf32, #tpu.memory_space<hbm>>) dst(%dma_wait3A_95 : memref<128x128xf32, #tpu.memory_space<vmem>>)
    %dma_wait3A_102 = arith.constant 1 : i32
    %dma_wait3A_103 = arith.constant 1 : i32
    %dma_wait3A_104 = arith.constant 384 : i32
    %dma_wait3A_105 = arith.constant 0 : i32
    %dma_wait3A_106 = tpu.memref_slice %arg9[%dma_wait3A_104, %dma_wait3A_105] : memref<768x128xf32, #tpu.memory_space<vmem>> -> memref<128x128xf32, #tpu.memory_space<vmem>>
    %dma_wait3A_107 = arith.constant 0 : i32
    %dma_wait3A_108 = tpu.memref_slice %arg8[%dma_wait3A_102, %dma_wait3A_103, %dma_wait3A_107] : memref<3x2x128xi32, #tpu.memory_space<vmem>> -> memref<1x1x128xi32, #tpu.memory_space<vmem>>
    %dma_wait3A_109 = tpu.memref_squeeze %dma_wait3A_108 : memref<1x1x128xi32, #tpu.memory_space<vmem>> -> memref<128xi32, #tpu.memory_space<vmem>>
    %dma_wait3A_110 = arith.constant 0 : i32
    %dma_wait3A_111 = arith.constant 0 : i32
    %dma_wait3A_112 = tpu.memref_slice %arg4[%dma_wait3A_110, %dma_wait3A_111] : memref<100000x128xf32, #tpu.memory_space<hbm>> -> memref<100000x128xf32, #tpu.memory_space<hbm>>
    tpu.wait_indirect_dma semaphore(%arg10 : memref<!tpu.dma_semaphore, #tpu.memory_space<semaphore_mem>>) src(%dma_wait3A_112 : memref<100000x128xf32, #tpu.memory_space<hbm>>) dst(%dma_wait3A_106 : memref<128x128xf32, #tpu.memory_space<vmem>>)
    %dma_wait3A_113 = arith.constant 2 : i32
    %dma_wait3A_114 = arith.constant 0 : i32
    %dma_wait3A_115 = arith.constant 512 : i32
    %dma_wait3A_116 = arith.constant 0 : i32
    %dma_wait3A_117 = tpu.memref_slice %arg9[%dma_wait3A_115, %dma_wait3A_116] : memref<768x128xf32, #tpu.memory_space<vmem>> -> memref<128x128xf32, #tpu.memory_space<vmem>>
    %dma_wait3A_118 = arith.constant 0 : i32
    %dma_wait3A_119 = tpu.memref_slice %arg8[%dma_wait3A_113, %dma_wait3A_114, %dma_wait3A_118] : memref<3x2x128xi32, #tpu.memory_space<vmem>> -> memref<1x1x128xi32, #tpu.memory_space<vmem>>
    %dma_wait3A_120 = tpu.memref_squeeze %dma_wait3A_119 : memref<1x1x128xi32, #tpu.memory_space<vmem>> -> memref<128xi32, #tpu.memory_space<vmem>>
    %dma_wait3A_121 = arith.constant 0 : i32
    %dma_wait3A_122 = arith.constant 0 : i32
    %dma_wait3A_123 = tpu.memref_slice %arg3[%dma_wait3A_121, %dma_wait3A_122] : memref<100000x128xf32, #tpu.memory_space<hbm>> -> memref<100000x128xf32, #tpu.memory_space<hbm>>
    tpu.wait_indirect_dma semaphore(%arg10 : memref<!tpu.dma_semaphore, #tpu.memory_space<semaphore_mem>>) src(%dma_wait3A_123 : memref<100000x128xf32, #tpu.memory_space<hbm>>) dst(%dma_wait3A_117 : memref<128x128xf32, #tpu.memory_space<vmem>>)
    %dma_wait3A_124 = arith.constant 2 : i32
    %dma_wait3A_125 = arith.constant 1 : i32
    %dma_wait3A_126 = arith.constant 640 : i32
    %dma_wait3A_127 = arith.constant 0 : i32
    %dma_wait3A_128 = tpu.memref_slice %arg9[%dma_wait3A_126, %dma_wait3A_127] : memref<768x128xf32, #tpu.memory_space<vmem>> -> memref<128x128xf32, #tpu.memory_space<vmem>>
    %dma_wait3A_129 = arith.constant 0 : i32
    %dma_wait3A_130 = tpu.memref_slice %arg8[%dma_wait3A_124, %dma_wait3A_125, %dma_wait3A_129] : memref<3x2x128xi32, #tpu.memory_space<vmem>> -> memref<1x1x128xi32, #tpu.memory_space<vmem>>
    %dma_wait3A_131 = tpu.memref_squeeze %dma_wait3A_130 : memref<1x1x128xi32, #tpu.memory_space<vmem>> -> memref<128xi32, #tpu.memory_space<vmem>>
    %dma_wait3A_132 = arith.constant 0 : i32
    %dma_wait3A_133 = arith.constant 0 : i32
    %dma_wait3A_134 = tpu.memref_slice %arg3[%dma_wait3A_132, %dma_wait3A_133] : memref<100000x128xf32, #tpu.memory_space<hbm>> -> memref<100000x128xf32, #tpu.memory_space<hbm>>
    tpu.wait_indirect_dma semaphore(%arg10 : memref<!tpu.dma_semaphore, #tpu.memory_space<semaphore_mem>>) src(%dma_wait3A_134 : memref<100000x128xf32, #tpu.memory_space<hbm>>) dst(%dma_wait3A_128 : memref<128x128xf32, #tpu.memory_space<vmem>>)
    %dma_start3A_135 = arith.constant 0 : i32
    %dma_start3A_136 = arith.constant 0 : i32
    %dma_start3A_137 = tpu.memref_slice %arg9[%dma_start3A_135, %dma_start3A_136] : memref<768x128xf32, #tpu.memory_space<vmem>> -> memref<256x128xf32, #tpu.memory_space<vmem>>
    %dma_start3A_138 = arith.constant 0 : i32
    %dma_start3A_139 = tpu.memref_slice %arg5[%mul3A_4, %dma_start3A_138] : memref<8192x128xf32, #tpu.memory_space<hbm>> -> memref<256x128xf32, #tpu.memory_space<hbm>>
    %dma_start3A_140 = arith.constant 0 : i32
    %dma_start3A_141 = tpu.memref_slice %arg5[%mul3A_4, %dma_start3A_140] : memref<8192x128xf32, #tpu.memory_space<hbm>> -> memref<256x128xf32, #tpu.memory_space<hbm>>
    %dma_start3A_142 = arith.constant 0 : i32
    %dma_start3A_143 = arith.constant 0 : i32
    %dma_start3A_144 = tpu.memref_slice %arg9[%dma_start3A_142, %dma_start3A_143] : memref<768x128xf32, #tpu.memory_space<vmem>> -> memref<256x128xf32, #tpu.memory_space<vmem>>
    tpu.enqueue_dma source(%dma_start3A_144 : memref<256x128xf32, #tpu.memory_space<vmem>>) target(%dma_start3A_141 : memref<256x128xf32, #tpu.memory_space<hbm>>) target_semaphore(%arg11 : memref<!tpu.dma_semaphore, #tpu.memory_space<semaphore_mem>>)
    %dma_start3A_145 = arith.constant 256 : i32
    %dma_start3A_146 = arith.constant 0 : i32
    %dma_start3A_147 = tpu.memref_slice %arg9[%dma_start3A_145, %dma_start3A_146] : memref<768x128xf32, #tpu.memory_space<vmem>> -> memref<256x128xf32, #tpu.memory_space<vmem>>
    %dma_start3A_148 = arith.constant 0 : i32
    %dma_start3A_149 = tpu.memref_slice %arg6[%mul3A_4, %dma_start3A_148] : memref<8192x128xf32, #tpu.memory_space<hbm>> -> memref<256x128xf32, #tpu.memory_space<hbm>>
    %dma_start3A_150 = arith.constant 0 : i32
    %dma_start3A_151 = tpu.memref_slice %arg6[%mul3A_4, %dma_start3A_150] : memref<8192x128xf32, #tpu.memory_space<hbm>> -> memref<256x128xf32, #tpu.memory_space<hbm>>
    %dma_start3A_152 = arith.constant 256 : i32
    %dma_start3A_153 = arith.constant 0 : i32
    %dma_start3A_154 = tpu.memref_slice %arg9[%dma_start3A_152, %dma_start3A_153] : memref<768x128xf32, #tpu.memory_space<vmem>> -> memref<256x128xf32, #tpu.memory_space<vmem>>
    tpu.enqueue_dma source(%dma_start3A_154 : memref<256x128xf32, #tpu.memory_space<vmem>>) target(%dma_start3A_151 : memref<256x128xf32, #tpu.memory_space<hbm>>) target_semaphore(%arg11 : memref<!tpu.dma_semaphore, #tpu.memory_space<semaphore_mem>>)
    %dma_start3A_155 = arith.constant 512 : i32
    %dma_start3A_156 = arith.constant 0 : i32
    %dma_start3A_157 = tpu.memref_slice %arg9[%dma_start3A_155, %dma_start3A_156] : memref<768x128xf32, #tpu.memory_space<vmem>> -> memref<256x128xf32, #tpu.memory_space<vmem>>
    %dma_start3A_158 = arith.constant 0 : i32
    %dma_start3A_159 = tpu.memref_slice %arg7[%mul3A_4, %dma_start3A_158] : memref<8192x128xf32, #tpu.memory_space<hbm>> -> memref<256x128xf32, #tpu.memory_space<hbm>>
    %dma_start3A_160 = arith.constant 0 : i32
    %dma_start3A_161 = tpu.memref_slice %arg7[%mul3A_4, %dma_start3A_160] : memref<8192x128xf32, #tpu.memory_space<hbm>> -> memref<256x128xf32, #tpu.memory_space<hbm>>
    %dma_start3A_162 = arith.constant 512 : i32
    %dma_start3A_163 = arith.constant 0 : i32
    %dma_start3A_164 = tpu.memref_slice %arg9[%dma_start3A_162, %dma_start3A_163] : memref<768x128xf32, #tpu.memory_space<vmem>> -> memref<256x128xf32, #tpu.memory_space<vmem>>
    tpu.enqueue_dma source(%dma_start3A_164 : memref<256x128xf32, #tpu.memory_space<vmem>>) target(%dma_start3A_161 : memref<256x128xf32, #tpu.memory_space<hbm>>) target_semaphore(%arg11 : memref<!tpu.dma_semaphore, #tpu.memory_space<semaphore_mem>>)
    %dma_wait3A_165 = arith.constant 0 : i32
    %dma_wait3A_166 = arith.constant 0 : i32
    %dma_wait3A_167 = tpu.memref_slice %arg9[%dma_wait3A_165, %dma_wait3A_166] : memref<768x128xf32, #tpu.memory_space<vmem>> -> memref<256x128xf32, #tpu.memory_space<vmem>>
    %dma_wait3A_168 = arith.constant 0 : i32
    %dma_wait3A_169 = tpu.memref_slice %arg5[%mul3A_4, %dma_wait3A_168] : memref<8192x128xf32, #tpu.memory_space<hbm>> -> memref<256x128xf32, #tpu.memory_space<hbm>>
    %dma_wait3A_170 = arith.constant 0 : i32
    %dma_wait3A_171 = tpu.memref_slice %arg5[%mul3A_4, %dma_wait3A_170] : memref<8192x128xf32, #tpu.memory_space<hbm>> -> memref<256x128xf32, #tpu.memory_space<hbm>>
    %dma_wait3A_172 = arith.constant 0 : i32
    %dma_wait3A_173 = arith.constant 0 : i32
    %dma_wait3A_174 = tpu.memref_slice %arg9[%dma_wait3A_172, %dma_wait3A_173] : memref<768x128xf32, #tpu.memory_space<vmem>> -> memref<256x128xf32, #tpu.memory_space<vmem>>
    tpu.wait_dma2 semaphore(%arg11 : memref<!tpu.dma_semaphore, #tpu.memory_space<semaphore_mem>>) src(%dma_wait3A_174 : memref<256x128xf32, #tpu.memory_space<vmem>>) dst(%dma_wait3A_171 : memref<256x128xf32, #tpu.memory_space<hbm>>)
    %dma_wait3A_175 = arith.constant 256 : i32
    %dma_wait3A_176 = arith.constant 0 : i32
    %dma_wait3A_177 = tpu.memref_slice %arg9[%dma_wait3A_175, %dma_wait3A_176] : memref<768x128xf32, #tpu.memory_space<vmem>> -> memref<256x128xf32, #tpu.memory_space<vmem>>
    %dma_wait3A_178 = arith.constant 0 : i32
    %dma_wait3A_179 = tpu.memref_slice %arg6[%mul3A_4, %dma_wait3A_178] : memref<8192x128xf32, #tpu.memory_space<hbm>> -> memref<256x128xf32, #tpu.memory_space<hbm>>
    %dma_wait3A_180 = arith.constant 0 : i32
    %dma_wait3A_181 = tpu.memref_slice %arg6[%mul3A_4, %dma_wait3A_180] : memref<8192x128xf32, #tpu.memory_space<hbm>> -> memref<256x128xf32, #tpu.memory_space<hbm>>
    %dma_wait3A_182 = arith.constant 256 : i32
    %dma_wait3A_183 = arith.constant 0 : i32
    %dma_wait3A_184 = tpu.memref_slice %arg9[%dma_wait3A_182, %dma_wait3A_183] : memref<768x128xf32, #tpu.memory_space<vmem>> -> memref<256x128xf32, #tpu.memory_space<vmem>>
    tpu.wait_dma2 semaphore(%arg11 : memref<!tpu.dma_semaphore, #tpu.memory_space<semaphore_mem>>) src(%dma_wait3A_184 : memref<256x128xf32, #tpu.memory_space<vmem>>) dst(%dma_wait3A_181 : memref<256x128xf32, #tpu.memory_space<hbm>>)
    %dma_wait3A_185 = arith.constant 512 : i32
    %dma_wait3A_186 = arith.constant 0 : i32
    %dma_wait3A_187 = tpu.memref_slice %arg9[%dma_wait3A_185, %dma_wait3A_186] : memref<768x128xf32, #tpu.memory_space<vmem>> -> memref<256x128xf32, #tpu.memory_space<vmem>>
    %dma_wait3A_188 = arith.constant 0 : i32
    %dma_wait3A_189 = tpu.memref_slice %arg7[%mul3A_4, %dma_wait3A_188] : memref<8192x128xf32, #tpu.memory_space<hbm>> -> memref<256x128xf32, #tpu.memory_space<hbm>>
    %dma_wait3A_190 = arith.constant 0 : i32
    %dma_wait3A_191 = tpu.memref_slice %arg7[%mul3A_4, %dma_wait3A_190] : memref<8192x128xf32, #tpu.memory_space<hbm>> -> memref<256x128xf32, #tpu.memory_space<hbm>>
    %dma_wait3A_192 = arith.constant 512 : i32
    %dma_wait3A_193 = arith.constant 0 : i32
    %dma_wait3A_194 = tpu.memref_slice %arg9[%dma_wait3A_192, %dma_wait3A_193] : memref<768x128xf32, #tpu.memory_space<vmem>> -> memref<256x128xf32, #tpu.memory_space<vmem>>
    tpu.wait_dma2 semaphore(%arg11 : memref<!tpu.dma_semaphore, #tpu.memory_space<semaphore_mem>>) src(%dma_wait3A_194 : memref<256x128xf32, #tpu.memory_space<vmem>>) dst(%dma_wait3A_191 : memref<256x128xf32, #tpu.memory_space<hbm>>)
    return
  }
}

module attributes {stable_mosaic.version = 14 : i64} {
  func.func @_mlp_body(%arg0: i32, %arg1: memref<2048x128xf32, #tpu.memory_space<vmem>>, %arg2: memref<2048x128xf32, #tpu.memory_space<vmem>>, %arg3: memref<2048x128xf32, #tpu.memory_space<vmem>>, %arg4: memref<2048x100xbf16, #tpu.memory_space<vmem>>, %arg5: memref<100x128xbf16, #tpu.memory_space<vmem>>, %arg6: memref<1x128xf32, #tpu.memory_space<vmem>>, %arg7: memref<512x1024xbf16, #tpu.memory_space<vmem>>, %arg8: memref<1x1024xf32, #tpu.memory_space<vmem>>, %arg9: memref<1x1024xf32, #tpu.memory_space<vmem>>, %arg10: memref<1x1xf32, #tpu.memory_space<vmem>>, %arg11: memref<2048x1xf32, #tpu.memory_space<vmem>>) attributes {dimension_semantics = [#tpu.dimension_semantics<arbitrary>], iteration_bounds = array<i64: 4>, scalar_prefetch = 0 : i64, scratch_operands = 0 : i64, tpu.core_type = #tpu.core_type<tc>, window_params = [{transform_indices = @transform_0, window_bounds = array<i64: 2048, 128>}, {transform_indices = @transform_1, window_bounds = array<i64: 2048, 128>}, {transform_indices = @transform_2, window_bounds = array<i64: 2048, 128>}, {transform_indices = @transform_3, window_bounds = array<i64: 2048, 100>}, {pipeline_mode = #tpu.pipeline_mode<synchronous>, transform_indices = @transform_4, window_bounds = array<i64: 100, 128>}, {pipeline_mode = #tpu.pipeline_mode<synchronous>, transform_indices = @transform_5, window_bounds = array<i64: 1, 128>}, {pipeline_mode = #tpu.pipeline_mode<synchronous>, transform_indices = @transform_6, window_bounds = array<i64: 512, 1024>}, {pipeline_mode = #tpu.pipeline_mode<synchronous>, transform_indices = @transform_7, window_bounds = array<i64: 1, 1024>}, {pipeline_mode = #tpu.pipeline_mode<synchronous>, transform_indices = @transform_8, window_bounds = array<i64: 1, 1024>}, {pipeline_mode = #tpu.pipeline_mode<synchronous>, transform_indices = @transform_9, window_bounds = array<i64: 1, 1>}, {transform_indices = @transform_10, window_bounds = array<i64: 2048, 1>}]} {
    %get3A = arith.constant 0 : index
    %get3A_0 = arith.constant 0 : index
    %get3A_1 = vector.load %arg4[%get3A, %get3A_0] : memref<2048x100xbf16, #tpu.memory_space<vmem>>, vector<2048x100xbf16>
    %get3A_2 = arith.constant 0 : index
    %get3A_3 = arith.constant 0 : index
    %get3A_4 = vector.load %arg5[%get3A_2, %get3A_3] : memref<100x128xbf16, #tpu.memory_space<vmem>>, vector<100x128xbf16>
    %dot_general3A = arith.constant dense<0.000000e+00> : vector<2048x128xf32>
    %dot_general3A_5 = tpu.matmul %get3A_1, %get3A_4, %dot_general3A {dimension_numbers = #tpu.dot_dimension_numbers<[1], [0], [0], [1], [0, 0, 1, 1], [], []>, transpose_lhs_hint = false} : vector<2048x100xbf16>, vector<100x128xbf16>, vector<2048x128xf32> -> vector<2048x128xf32>
    %get3A_6 = arith.constant 0 : index
    %get3A_7 = arith.constant 0 : index
    %get3A_8 = vector.load %arg6[%get3A_6, %get3A_7] : memref<1x128xf32, #tpu.memory_space<vmem>>, vector<1x128xf32>
    %add3A = vector.broadcast %get3A_8 : vector<1x128xf32> to vector<2048x128xf32>
    %add3A_9 = arith.addf %dot_general3A_5, %add3A : vector<2048x128xf32>
    %get3A_10 = arith.constant 0 : index
    %get3A_11 = arith.constant 0 : index
    %get3A_12 = vector.load %arg1[%get3A_10, %get3A_11] : memref<2048x128xf32, #tpu.memory_space<vmem>>, vector<2048x128xf32>
    %get3A_13 = arith.constant 0 : index
    %get3A_14 = arith.constant 0 : index
    %get3A_15 = vector.load %arg2[%get3A_13, %get3A_14] : memref<2048x128xf32, #tpu.memory_space<vmem>>, vector<2048x128xf32>
    %get3A_16 = arith.constant 0 : index
    %get3A_17 = arith.constant 0 : index
    %get3A_18 = vector.load %arg3[%get3A_16, %get3A_17] : memref<2048x128xf32, #tpu.memory_space<vmem>>, vector<2048x128xf32>
    %concatenate3A = tpu.concatenate %get3A_12, %get3A_15, %get3A_18, %add3A_9 in 1 : vector<2048x128xf32>, vector<2048x128xf32>, vector<2048x128xf32>, vector<2048x128xf32> -> vector<2048x512xf32>
    %convert_element_type3A = arith.truncf %concatenate3A : vector<2048x512xf32> to vector<2048x512xbf16>
    %get3A_19 = arith.constant 0 : index
    %get3A_20 = arith.constant 0 : index
    %get3A_21 = vector.load %arg7[%get3A_19, %get3A_20] : memref<512x1024xbf16, #tpu.memory_space<vmem>>, vector<512x1024xbf16>
    %dot_general3A_22 = arith.constant dense<0.000000e+00> : vector<2048x1024xf32>
    %dot_general3A_23 = tpu.matmul %convert_element_type3A, %get3A_21, %dot_general3A_22 {dimension_numbers = #tpu.dot_dimension_numbers<[1], [0], [0], [1], [0, 0, 1, 1], [], []>, transpose_lhs_hint = false} : vector<2048x512xbf16>, vector<512x1024xbf16>, vector<2048x1024xf32> -> vector<2048x1024xf32>
    %get3A_24 = arith.constant 0 : index
    %get3A_25 = arith.constant 0 : index
    %get3A_26 = vector.load %arg8[%get3A_24, %get3A_25] : memref<1x1024xf32, #tpu.memory_space<vmem>>, vector<1x1024xf32>
    %add3A_27 = vector.broadcast %get3A_26 : vector<1x1024xf32> to vector<2048x1024xf32>
    %add3A_28 = arith.addf %dot_general3A_23, %add3A_27 : vector<2048x1024xf32>
    %max3A = arith.constant 0.000000e+00 : f32
    %max3A_29 = vector.broadcast %max3A : f32 to vector<2048x1024xf32>
    %max3A_30 = arith.maximumf %add3A_28, %max3A_29 : vector<2048x1024xf32>
    %get3A_31 = arith.constant 0 : index
    %get3A_32 = arith.constant 0 : index
    %get3A_33 = vector.load %arg9[%get3A_31, %get3A_32] : memref<1x1024xf32, #tpu.memory_space<vmem>>, vector<1x1024xf32>
    %mul3A = vector.broadcast %get3A_33 : vector<1x1024xf32> to vector<2048x1024xf32>
    %mul3A_34 = arith.mulf %max3A_30, %mul3A : vector<2048x1024xf32>
    %reduce_sum3A = arith.constant dense<0.000000e+00> : vector<2048xf32>
    %reduce_sum3A_35 = vector.multi_reduction <add>, %mul3A_34, %reduce_sum3A [1] : vector<2048x1024xf32> to vector<2048xf32>
    %broadcast_in_dim3A = vector.shape_cast %reduce_sum3A_35 : vector<2048xf32> to vector<2048x1xf32>
    %get3A_36 = arith.constant 0 : index
    %get3A_37 = arith.constant 0 : index
    %get3A_38 = vector.load %arg10[%get3A_36, %get3A_37] : memref<1x1xf32, #tpu.memory_space<vmem>>, vector<1x1xf32>
    %add3A_39 = vector.broadcast %get3A_38 : vector<1x1xf32> to vector<2048x1xf32>
    %add3A_40 = arith.addf %broadcast_in_dim3A, %add3A_39 : vector<2048x1xf32>
    %logistic3A = arith.negf %add3A_40 : vector<2048x1xf32>
    %logistic3A_41 = math.exp %logistic3A : vector<2048x1xf32>
    %logistic3A_42 = arith.constant 1.000000e+00 : f32
    %logistic3A_43 = vector.broadcast %logistic3A_42 : f32 to vector<2048x1xf32>
    %logistic3A_44 = arith.addf %logistic3A_43, %logistic3A_41 : vector<2048x1xf32>
    %logistic3A_45 = arith.divf %logistic3A_43, %logistic3A_44 : vector<2048x1xf32>
    %swap3A = arith.constant 0 : index
    %swap3A_46 = arith.constant 0 : index
    %swap3A_47 = vector.load %arg11[%swap3A, %swap3A_46] : memref<2048x1xf32, #tpu.memory_space<vmem>>, vector<2048x1xf32>
    tpu.vector_store %arg11[%swap3A, %swap3A_46], %logistic3A_45 {strides = array<i32>} : memref<2048x1xf32, #tpu.memory_space<vmem>>, vector<2048x1xf32>,
    return
  }
  func.func @transform_0(%arg0: i32) -> (i32, i32) {
    %c0_i32 = arith.constant 0 : i32
    %c0_i32_0 = arith.constant 0 : i32
    return %arg0, %c0_i32 : i32, i32
  }
  func.func @transform_1(%arg0: i32) -> (i32, i32) {
    %c0_i32 = arith.constant 0 : i32
    %c0_i32_0 = arith.constant 0 : i32
    return %arg0, %c0_i32 : i32, i32
  }
  func.func @transform_2(%arg0: i32) -> (i32, i32) {
    %c0_i32 = arith.constant 0 : i32
    %c0_i32_0 = arith.constant 0 : i32
    return %arg0, %c0_i32 : i32, i32
  }
  func.func @transform_3(%arg0: i32) -> (i32, i32) {
    %c0_i32 = arith.constant 0 : i32
    %c0_i32_0 = arith.constant 0 : i32
    return %arg0, %c0_i32 : i32, i32
  }
  func.func @transform_4(%arg0: i32) -> (i32, i32) {
    %c0_i32 = arith.constant 0 : i32
    %c0_i32_0 = arith.constant 0 : i32
    %c0_i32_1 = arith.constant 0 : i32
    return %c0_i32, %c0_i32_0 : i32, i32
  }
  func.func @transform_5(%arg0: i32) -> (i32, i32) {
    %c0_i32 = arith.constant 0 : i32
    %c0_i32_0 = arith.constant 0 : i32
    %c0_i32_1 = arith.constant 0 : i32
    return %c0_i32, %c0_i32_0 : i32, i32
  }
  func.func @transform_6(%arg0: i32) -> (i32, i32) {
    %c0_i32 = arith.constant 0 : i32
    %c0_i32_0 = arith.constant 0 : i32
    %c0_i32_1 = arith.constant 0 : i32
    return %c0_i32, %c0_i32_0 : i32, i32
  }
  func.func @transform_7(%arg0: i32) -> (i32, i32) {
    %c0_i32 = arith.constant 0 : i32
    %c0_i32_0 = arith.constant 0 : i32
    %c0_i32_1 = arith.constant 0 : i32
    return %c0_i32, %c0_i32_0 : i32, i32
  }
  func.func @transform_8(%arg0: i32) -> (i32, i32) {
    %c0_i32 = arith.constant 0 : i32
    %c0_i32_0 = arith.constant 0 : i32
    %c0_i32_1 = arith.constant 0 : i32
    return %c0_i32, %c0_i32_0 : i32, i32
  }
  func.func @transform_9(%arg0: i32) -> (i32, i32) {
    %c0_i32 = arith.constant 0 : i32
    %c0_i32_0 = arith.constant 0 : i32
    %c0_i32_1 = arith.constant 0 : i32
    return %c0_i32, %c0_i32_0 : i32, i32
  }
  func.func @transform_10(%arg0: i32) -> (i32, i32) {
    %c0_i32 = arith.constant 0 : i32
    %c0_i32_0 = arith.constant 0 : i32
    return %arg0, %c0_i32 : i32, i32
  }
}

</mosaic_0001>

<sc_bundles>
// kernel: kernel.6.cloned.1.call-start
scs
__scs_entry_jumppad:
0x0: {  	(pc) =	sbr.rel $0x88, $3  }
0x1: {  	(tag) =	ssettag $0x0;
	lr =	simm.s32 $0x1  }
0x2: {  	[smem:$0x3F97] =	sst lr;
	_ =	strace $0xD0000000  }
0x3: {  	_ = 	snop  }
0x4: {  	_ = 	snop  }
0x5: {  	_ = 	snop  }
0x6: {  	_ = 	snop  }
0x7: {  	_ = 	snop  }
__scs_overlays_trampoline_lowered:
0x8: {  	[smem:$0x3FA6] =	sst s0  }
0x9: {  	[smem:$0x3FA7] =	sst s1  }
0xa: {  	[smem:$0x3FA8] =	sst s2  }
0xb: {  	[smem:$0x3FA9] =	sst s3  }
0xc: {  	[smem:$0x3FAA] =	sst s4  }
0xd: {  	[smem:$0x3FAB] =	sst s5  }
0xe: {  	[smem:$0x3FAC] =	sst s6  }
0xf: {  	[smem:$0x3FAD] =	sst s7  }
0x10: {  	[smem:$0x3FAE] =	sst s8  }
0x11: {  	[smem:$0x3FAF] =	sst s9;
	s0 =	simm.s32 @!p0 $0x0  }
0x12: {  	s1 =	sld [smem:$0x3F95];
	s0 =	simm.s32 @p0 $0x1  }
0x13: {  	[smem:$0x3FB0] =	sst s0;
	s0 =	simm.s32 @!p1 $0x0  }
0x14: {  	s2 =	sld [smem:$0x3F94];
	s0 =	simm.s32 @p1 $0x1  }
0x15: {  	[smem:$0x3FB1] =	sst s0;
	s0 =	simm.s32 @!p2 $0x0  }
0x16: {  	s3 =	sld [smem:$0x3FDB];
	s0 =	simm.s32 @p2 $0x1  }
0x17: {  	s4 =	simm.s32 $0x1BF5;
	[smem:$0x3FB3] =	sst s0  }
0x18: {  	s0 =	sld [smem:$0x3F96];
	_ =	swait.ge [sflag:s4], $0x0  }
0x19: {  	s7 =	sld [smem:$0x3F97]  }
0x1a: {  	s8 =	sadd.s32 $0xFFFFE003, lr  }
0x1b: {  	s9 =	sadd.s32 $0xFFFFFEF7, lr;
	s5 =	simm.s32 $0xFFFFFFFF;
	p2 =	slt.u32 s8, $0xFFFFF086  }
0x1c: {  	p1 =	slt.u32 s9, $0xF7A;
	s5 =	simm.s32 @!p2 $0x0  }
0x1d: {  	s5 =	simm.s32 @p1 $0x1;
	p0 =	seq.s32 s7, s2  }
0x1e: {  	s7 =	smul.u32 @!p0 $0xF7A, s2;
	p2 =	seq.s32 @!p0 s5, $0x0  }
0x1f: {  	s9 =	smul.u32 $0xF7A, s1;
	s8 =	simm.s32 @!p0 $0x1BF5;
	p2 =	por !p2, p0  }
0x20: {  	[sflag:s8] =	ssyncset.s32 @!p0 $0xFFFFF086;
	s6 =	sadd.s32 @!p0 s3, s7;
	s7 =	simm.s32 @!p0 $0x108  }
0x21: {  	s3 =	sadd.s32 s3, s9;
	s6 =	sadd.s32 @!p0 $0x88, s6;
	s7 =	simm.s32 @p2 $0x1082  }
0x22: {  	[simem:s7], [sflag:s8] =	dma.local @!p0 [hbm:s6], $0xF7A  }
0x23: {  	s9 =	sor.u32 $0xD0000000, s2;
	s6 =	simm.s32 $0x108;
	_ =	swait.ge @!p0 [sflag:s8], $0x0  }
0x24: {  	s3 =	sadd.s32 $0x88, s3;
	s6 =	simm.s32 @!p1 $0x1082;
	[sflag:s4] =	ssyncset.s32 $0xFFFFF086  }
0x25: {  	[simem:s6], [sflag:s4] =	dma.local [hbm:s3], $0xF7A  }
0x26: {  	[smem:$0x3F97] =	sst s1;
	(tag) =	ssettag s2;
	_ =	strace s9  }
0x27: {  	s1 =	sld [smem:$0x3FA7]  }
0x28: {  	s2 =	sld [smem:$0x3FA8]  }
0x29: {  	s4 =	sld [smem:$0x3FAA]  }
0x2a: {  	p0 =	seq.s32 s5, $0x0;
	s5 =	sld [smem:$0x3FAB]  }
0x2b: {  	s6 =	sld [smem:$0x3FAC]  }
0x2c: {  	s7 =	sld [smem:$0x3FAD]  }
0x2d: {  	s3 =	simm.s32 $0x108;
	s8 =	sld [smem:$0x3FAE]  }
0x2e: {  	s3 =	simm.s32 @!p0 $0x1082;
	s9 =	sld [smem:$0x3FAF]  }
0x2f: {  	lr =	sadd.s32 s0, s3;
	s0 =	sld [smem:$0x3FA6]  }
0x30: {  	s3 =	sld [smem:$0x3FA9]  }
0x31: {  	[smem:$0x3FB2] =	sst s10  }
0x32: {  	s10 =	sld [smem:$0x3FB0];
	_ =	sdelay $0x3  }
0x33: {  	p0 =	seq.s32 s10, $0x1;
	s10 =	sld [smem:$0x3FB2];
	_ =	sdelay $0x3  }
0x34: {  	[smem:$0x3FB2] =	sst s10  }
0x35: {  	s10 =	sld [smem:$0x3FB1];
	_ =	sdelay $0x3  }
0x36: {  	p1 =	seq.s32 s10, $0x1;
	s10 =	sld [smem:$0x3FB2];
	_ =	sdelay $0x3  }
0x37: {  	[smem:$0x3FB2] =	sst s10  }
0x38: {  	s10 =	sld [smem:$0x3FB3]  }
0x39: {  	_ = 	snop;
	(pc) =	sbr.ind lr, $3  }
0x3a: {  	_ = 	snop  }
0x3b: {  	_ = 	snop  }
0x3c: {  	p2 =	seq.s32 s10, $0x1;
	s10 =	sld [smem:$0x3FB2]  }
0x3d: {  	_ =	shalt  }
0x3e: {  	_ =	shalt  }
0x3f: {  	_ =	shalt  }
0x40: {  	_ =	shalt  }
0x41: {  	_ =	shalt  }
0x42: {  	_ =	shalt  }
0x43: {  	_ =	shalt  }
0x44: {  	_ =	shalt  }
0x45: {  	_ =	shalt  }
0x46: {  	_ =	shalt  }
0x47: {  	_ =	shalt  }
0x48: {  	_ =	shalt  }
0x49: {  	_ =	shalt  }
0x4a: {  	_ =	shalt  }
0x4b: {  	_ =	shalt  }
0x4c: {  	_ =	shalt  }
0x4d: {  	_ =	shalt  }
0x4e: {  	_ =	shalt  }
0x4f: {  	_ =	shalt  }
0x50: {  	_ =	shalt  }
0x51: {  	_ =	shalt  }
0x52: {  	_ =	shalt  }
0x53: {  	_ =	shalt  }
0x54: {  	_ =	shalt  }
0x55: {  	_ =	shalt  }
0x56: {  	_ =	shalt  }
0x57: {  	_ =	shalt  }
0x58: {  	_ =	shalt  }
0x59: {  	_ =	shalt  }
0x5a: {  	_ =	shalt  }
0x5b: {  	_ =	shalt  }
0x5c: {  	_ =	shalt  }
0x5d: {  	_ =	shalt  }
0x5e: {  	_ =	shalt  }
0x5f: {  	_ =	shalt  }
0x60: {  	_ =	shalt  }
0x61: {  	_ =	shalt  }
0x62: {  	_ =	shalt  }
0x63: {  	_ =	shalt  }
0x64: {  	_ =	shalt  }
0x65: {  	_ =	shalt  }
0x66: {  	_ =	shalt  }
0x67: {  	_ =	shalt  }
0x68: {  	_ =	shalt  }
0x69: {  	_ =	shalt  }
0x6a: {  	_ =	shalt  }
0x6b: {  	_ =	shalt  }
0x6c: {  	_ =	shalt  }
0x6d: {  	_ =	shalt  }
0x6e: {  	_ =	shalt  }
0x6f: {  	_ =	shalt  }
0x70: {  	_ =	shalt  }
0x71: {  	_ =	shalt  }
0x72: {  	_ =	shalt  }
0x73: {  	_ =	shalt  }
0x74: {  	_ =	shalt  }
0x75: {  	_ =	shalt  }
0x76: {  	_ =	shalt  }
0x77: {  	_ =	shalt  }
0x78: {  	_ =	shalt  }
0x79: {  	_ =	shalt  }
0x7a: {  	_ =	shalt  }
0x7b: {  	_ =	shalt  }
0x7c: {  	_ =	shalt  }
0x7d: {  	_ =	shalt  }
0x7e: {  	_ =	shalt  }
0x7f: {  	_ =	shalt  }
0x80: {  	_ =	shalt  }
0x81: {  	_ =	shalt  }
0x82: {  	_ =	shalt  }
0x83: {  	_ =	shalt  }
0x84: {  	_ =	shalt  }
0x85: {  	_ =	shalt  }
0x86: {  	_ =	shalt  }
0x87: {  	_ =	shalt  }
.Lfunc_end0:
.L_simem_size_0:
called_computation_lowered:
.L_overlay_start_0:
0x88: {  	s2 =	sld [smem:$0x3FD9]  }
0x89: {  	s3 =	sld [smem:$0x3FFE];
	_ =	sdelay $0x1  }
0x8a: {  	s1 =	srdreg.scid  }
0x8b: {  	s0 =	sand.u32 $0x1, s1  }
0x8c: {  	s17 =	sshll.u32 s0, $0xA;
	s2 =	sadd.s32 s3, s2  }
0x8d: {  	s2 =	sadd.s32 s2, s17  }
0x8e: {  	[smem:$0x3FBE] =	sst s2  }
0x8f: {  	_ = 	snop  }
0x90: {  	s18 =	sld [smem:$0x3FC7]  }
0x91: {  	s4 =	sld [smem:$0x3FC6];
	(tm) =	ssettm $0x1  }
0x92: {  	s19 =	sld [smem:$0x3FFB];
	_ =	sdelay $0x3  }
0x93: {  	_ =	strace s19  }
0x94: {  	s2 =	sld [smem:$0x3FFC];
	_ =	sdelay $0x3  }
0x95: {  	_ =	strace s2  }
0x96: {  	s2 =	sld [smem:$0x3FFD];
	_ =	sdelay $0x3  }
0x97: {  	_ =	strace s2  }
0x98: {  	_ =	strace $0x8FFFFFFF  }
0x99: {  	s20 =	sld [smem:$0x3FDB];
	_ =	sdelay $0x1  }
0x9a: {  	s5 =	simm.s32 $_scs_section_size  }
0x9b: {  	s6 =	simm.s32 $_size__tile_overlayer_lowered;
	s7 =	simm.s32 $_tile_overlayer_lowered  }
0x9c: {  	s8 =	simm.s32 $0x1BFF;
	s21 =	sshll.u32 s7, $0x1;
	s5 =	sadd.s32 s5, s20  }
0x9d: {  	s22 =	simm.s32 $0x0;
	s6 =	sshll.u32 s6, $0x1;
	s7 =	sadd.s32 s21, s5  }
0x9e: {  	[timem:s22], [sflag:s8] =	dma.local [hbm:s7], s6  }
0x9f: {  	_ =	swait.ge [sflag:s8], s6  }
0xa0: {  	s6 =	ssub.s32 $0x0, s6;
	[sflag:s8] =	ssyncset.done $0x0  }
0xa1: {  	[sflag:s8] =	ssyncadd.s32 s6;
	_ =	sdelay $0x1  }
0xa2: {  	s23 =	simm.s32 $0x1B8B  }
0xa3: {  	_ =	swait.ge [sflag:s23], $0x1  }
0xa4: {  	[sflag:s23] =	ssyncset.done $0x0  }
0xa5: {  	[sflag:s23] =	ssyncadd.s32 $0xFFFFFFFF  }
0xa6: {  	s6 =	sld [smem:$0x0]  }
0xa7: {  	s7 =	sand.u32 $0xFFFFFFFE, s1  }
0xa8: {  	p0 =	sne.s32 s1, s7  }
0xa9: {  	s7 =	sshll.u32 @p0 s7, $0xE  }
0xaa: {  	s7 =	sadd.s32 @p0 $0x11B8D, s7;
	s8 =	sshll.u32 @p0 s6, $0x11  }
0xab: {  	s7 =	sor.u32 @p0 s8, s7  }
0xac: {  	[sflag:s7] =	ssyncadd.remote.s32 @p0 $0x1;
	_ =	sdelay $0x1  }
0xad: {  	s7 =	simm.s32 @p0 $0x1B8D  }
0xae: {  	_ =	swait.eq @p0 [sflag:s7], $0x1  }
0xaf: {  	[sflag:s7] =	ssyncadd.s32 @p0 $0xFFFFFFFF  }
0xb0: {  	s8 =	sshll.u32 @!p0 s1, $0xE  }
0xb1: {  	s8 =	sor.u32 @!p0 $0x4000, s8;
	s7 =	simm.s32 @!p0 $0x1B8D  }
0xb2: {  	s6 =	sshll.u32 @!p0 s6, $0x11;
	s8 =	sadd.s32 @!p0 $0x11B8D, s8;
	_ =	swait.eq @!p0 [sflag:s7], $0x1  }
0xb3: {  	s6 =	sor.u32 @!p0 s6, s8;
	[sflag:s7] =	ssyncadd.s32 @!p0 $0xFFFFFFFF  }
0xb4: {  	s25 =	simm.s32 $0x1B8E;
	s24 =	sld [smem:$0x3FFE];
	[sflag:s6] =	ssyncadd.remote.s32 @!p0 $0x1  }
0xb5: {  	s26 =	simm.s32 $execute0_lowered;
	[smem:$0x3FD2] =	sst s25  }
0xb6: {  	s7 =	sshll.u32 s26, $0x1;
	_ =	strace $0x80000049;
	[dreg:$0x1] =	wrdreg $0xFFFFFFFF  }
0xb7: {  	s28 =	simm.s32 $_size_execute0_lowered;
	s5 =	sadd.s32 s5, s7;
	[dreg:$0x0] =	wrdreg $0x0  }
0xb8: {  	s7 =	sshll.u32 s28, $0x1;
	[dreg:$0x2] =	wrdreg s5  }
0xb9: {  	[dreg:$0x3] =	wrdreg s7  }
0xba: {  	[dreg:$0x4] =	wrdreg $0xC0  }
0xbb: {  	_ =	task [dreg:s22], $0x5FFFF  }
0xbc: {  	[dreg:$0x1] =	wrdreg $0xFFFFFFFF  }
0xbd: {  	[dreg:$0x0] =	wrdreg $0x60  }
0xbe: {  	[dreg:$0x2] =	wrdreg s24  }
0xbf: {  	[dreg:$0x3] =	wrdreg s18  }
0xc0: {  	[dreg:$0x4] =	wrdreg s4  }
0xc1: {  	[dreg:$0x5] =	wrdreg $0x9  }
0xc2: {  	_ =	task.clear_ibuf [dreg:s22], $0x6FFFF;
	_ =	strace $0x90000049  }
0xc3: {  	s29 =	simm.s32 $0x9;
	_ =	strace $0x8000004B  }
0xc4: {  	_ =	swait.ge [sflag:s29], $0x1  }
0xc5: {  	[sflag:s29] =	ssyncadd.s32 $0xFFFFFFFF  }
0xc6: {  	_ =	strace $0x9000004B  }
0xc7: {  	_ =	sfence  }
0xc8: {  	s30 =	sld [smem:$0x0];
	_ =	sdelay $0x2  }
0xc9: {  	s31 =	sshll.u32 s1, $0xD;
	s1 =	sshrl.u32 s1, $0x2  }
0xca: {  	s4 =	sand.u32 $0x4000, s31;
	s1 =	sadd.s32 s1, s30  }
0xcb: {  	s0 =	sor.u32 s4, s0;
	s1 =	sshll.u32 s1, $0x11  }
0xcc: {  	s0 =	sor.u32 s1, s0  }
0xcd: {  	s0 =	sadd.s32 $0x8F2B, s0  }
0xce: {  	[sflag:s0] =	ssyncadd.remote.s32 $0x1  }
0xcf: {  	_ =	sfence.sel $0xFFFF  }
0xd0: {  	[dreg:$0x0] =	wrdreg $0xFFFFFFFF;
	(pc) =	sbr.abs _section_cstart, $3  }
0xd1: {  	[dreg:$0x1] =	wrdreg $0xFFFFFFFF  }
0xd2: {  	_ =	task.clear_ibuf [dreg:s22], $0x2FFFF;
	_ =	strace $0x9FFFFFFF  }
0xd3: {  	(tm) =	ssettm $0x7FFFFFFF  }
tec
execute0_lowered:
.L_overlay_start_1:
0x0: {  	(tag) =	ssettag $0x1  }
0x1: {  	s20 =	rddreg [dreg:$0x0]  }
0x2: {  	s1 =	srdreg.scid;
	s0 =	stileid.u32  }
0x3: {  	s2 =	rddreg [dreg:$0x1];
	s24 =	sand.u32 $0x1, s1;
	s31 =	sshll.u32 s0, $0x1  }
0x4: {  	s3 =	rddreg [dreg:$0x2];
	s4 =	simm.s32 $0x0;
	s21 =	sor.u32 s24, s31  }
0x5: {  	s6 =	simm.s32 $0x100;
	s7 =	simm.s32 $0x2000;
	s5 =	sshll.u32 s21, $0x5  }
0x6: {  	s8 =	simm.s32 $0x3;
	[smem:$0x7FF] =	sst s4;
	s5 =	sadd.s32 s5, s20  }
0x7: {  	s1 =	rddreg [dreg:$0x3];
	_ =	strace $0x8000004A;
	s5 =	sadd.s32 $0x4000, s5  }
0x8: {  	[tilespmem:s4], [sflag:$0x3] =	stream.strided.gather [hbm4b:s5+s6], $0x300, s7, s6, $0x38;
	[tilespmem:$0x18300] =	vst v63  }
0x9: {  	_ =	swait.ge [sflag:s8], $0x300  }
0xa: {  	[sflag:s8] =	ssyncset.done $0x0  }
0xb: {  	s9 =	simm.s32 $0x80;
	s10 =	simm.s32 $0x300;
	[sflag:s8] =	ssyncadd.s32 $0xFFFFFD00  }
0xc: {  	[tilespmem:s10], [sflag:$0x1] =	stream.indirect.gather [hbm4b:s2+s9], $0x80, s4, s9, $0xb8;
	[tilespmem:$0x18300] =	vst v63  }
0xd: {  	s11 =	simm.s32 $0x4300  }
0xe: {  	[tilespmem:s11], [sflag:$0x1] =	stream.indirect.gather [hbm4b:s2+s9], $0x80, s9, s9, $0xb8;
	[tilespmem:$0x18300] =	vst v63  }
0xf: {  	s12 =	simm.s32 $0x8300  }
0x10: {  	[tilespmem:s12], [sflag:$0x1] =	stream.indirect.gather [hbm4b:s3+s9], $0x80, s6, s9, $0xb8;
	[tilespmem:$0x18300] =	vst v63  }
0x11: {  	s13 =	simm.s32 $0x180;
	s14 =	simm.s32 $0xC300  }
0x12: {  	[tilespmem:s14], [sflag:$0x1] =	stream.indirect.gather [hbm4b:s3+s9], $0x80, s13, s9, $0xb8;
	[tilespmem:$0x18300] =	vst v63  }
0x13: {  	s15 =	simm.s32 $0x200;
	s16 =	simm.s32 $0x10300  }
0x14: {  	[tilespmem:s16], [sflag:$0x1] =	stream.indirect.gather [hbm4b:s2+s9], $0x80, s15, s9, $0xb8;
	[tilespmem:$0x18300] =	vst v63  }
0x15: {  	s17 =	simm.s32 $0x280;
	s18 =	simm.s32 $0x14300;
	s19 =	simm.s32 $0x1  }
0x16: {  	[tilespmem:s18], [sflag:$0x1] =	stream.indirect.gather [hbm4b:s2+s9], $0x80, s17, s9, $0xb8;
	[tilespmem:$0x18300] =	vst v63  }
0x17: {  	_ =	swait.ge [sflag:s19], $0x4000  }
0x18: {  	[sflag:s19] =	ssyncset.done $0x0  }
0x19: {  	[sflag:s19] =	ssyncadd.s32 $0xFFFFC000  }
0x1a: {  	_ =	swait.ge [sflag:s19], $0x4000  }
0x1b: {  	[sflag:s19] =	ssyncset.done $0x0  }
0x1c: {  	[sflag:s19] =	ssyncadd.s32 $0xFFFFC000  }
0x1d: {  	_ =	swait.ge [sflag:s19], $0x4000  }
0x1e: {  	[sflag:s19] =	ssyncset.done $0x0  }
0x1f: {  	[sflag:s19] =	ssyncadd.s32 $0xFFFFC000  }
0x20: {  	_ =	swait.ge [sflag:s19], $0x4000  }
0x21: {  	[sflag:s19] =	ssyncset.done $0x0  }
0x22: {  	[sflag:s19] =	ssyncadd.s32 $0xFFFFC000  }
0x23: {  	_ =	swait.ge [sflag:s19], $0x4000  }
0x24: {  	[sflag:s19] =	ssyncset.done $0x0  }
0x25: {  	[sflag:s19] =	ssyncadd.s32 $0xFFFFC000  }
0x26: {  	s21 =	sshll.u32 s21, $0xC;
	_ =	swait.ge [sflag:s19], $0x4000  }
0x27: {  	s22 =	sadd.s32 s21, s20;
	[sflag:s19] =	ssyncset.done $0x0  }
0x28: {  	s20 =	sadd.s32 $0x64C00, s22;
	[sflag:s19] =	ssyncadd.s32 $0xFFFFC000  }
0x29: {  	[hbm4b:s20+s4] =	stream.linear.scatter [tilespmem:s10], [sflag:$0x2], $0x8000, $0x38;
	[tilespmem:$0x18300] =	vst v63  }
0x2a: {  	s24 =	ssub.s32 $0x2, s24;
	s21 =	sadd.s32 $0x84C00, s22  }
0x2b: {  	[hbm4b:s21+s4] =	stream.linear.scatter [tilespmem:s12], [sflag:$0x2], $0x8000, $0x38;
	[tilespmem:$0x18300] =	vst v63  }
0x2c: {  	s25 =	sshrl.u32 s24, $0x1;
	s23 =	sadd.s32 $0xA4C00, s22;
	s22 =	simm.s32 $0x2  }
0x2d: {  	[hbm4b:s23+s4] =	stream.linear.scatter [tilespmem:s16], [sflag:$0x2], $0x8000, $0x38;
	[tilespmem:$0x18300] =	vst v63  }
0x2e: {  	s24 =	ssub.s32 s24, s25;
	_ =	swait.ge [sflag:s22], $0x8000  }
0x2f: {  	s24 =	smax.u32 s24, $0x1;
	[sflag:s22] =	ssyncset.done $0x0  }
0x30: {  	p0 =	sne.s32 s24, $0x1;
	[sflag:s22] =	ssyncadd.s32 $0xFFFF8000  }
.Ltmp0:
0x31: {  	_ =	swait.ge [sflag:s22], $0x8000;
	(pc) =	sbr.rel @!p0 .LBB2_2-.Ltmp0, $4  }
0x32: {  	[sflag:s22] =	ssyncset.done $0x0  }
0x33: {  	[sflag:s22] =	ssyncadd.s32 $0xFFFF8000  }
0x34: {  	_ =	swait.ge [sflag:s22], $0x8000  }
0x35: {  	s24 =	sadd.s32 $0xFFFFFFFF, s24;
	[sflag:s22] =	ssyncset.done $0x0  }
.LBB2_1:
0x36: {  	p0 =	sne.s32 s24, $0x1;
	s24 =	sadd.s32 $0xFFFFFFFF, s24;
	[sflag:s22] =	ssyncadd.s32 $0xFFFF8000  }
0x37: {  	[tilespmem:s4], [sflag:$0x3] =	stream.strided.gather [hbm4b:s5+s6], $0x300, s7, s6, $0x38;
	[tilespmem:$0x18300] =	vst v63  }
0x38: {  	_ =	swait.ge [sflag:s8], $0x300  }
0x39: {  	[sflag:s8] =	ssyncset.done $0x0  }
0x3a: {  	[sflag:s8] =	ssyncadd.s32 $0xFFFFFD00  }
0x3b: {  	[tilespmem:s10], [sflag:$0x1] =	stream.indirect.gather [hbm4b:s2+s9], $0x80, s4, s9, $0xb8;
	[tilespmem:$0x18300] =	vst v63  }
0x3c: {  	_ = 	snop  }
0x3d: {  	[tilespmem:s11], [sflag:$0x1] =	stream.indirect.gather [hbm4b:s2+s9], $0x80, s9, s9, $0xb8;
	[tilespmem:$0x18300] =	vst v63  }
0x3e: {  	_ = 	snop  }
0x3f: {  	[tilespmem:s12], [sflag:$0x1] =	stream.indirect.gather [hbm4b:s3+s9], $0x80, s6, s9, $0xb8;
	[tilespmem:$0x18300] =	vst v63  }
0x40: {  	_ = 	snop  }
0x41: {  	[tilespmem:s14], [sflag:$0x1] =	stream.indirect.gather [hbm4b:s3+s9], $0x80, s13, s9, $0xb8;
	[tilespmem:$0x18300] =	vst v63  }
0x42: {  	_ = 	snop  }
0x43: {  	[tilespmem:s16], [sflag:$0x1] =	stream.indirect.gather [hbm4b:s2+s9], $0x80, s15, s9, $0xb8;
	[tilespmem:$0x18300] =	vst v63  }
0x44: {  	_ = 	snop  }
0x45: {  	[tilespmem:s18], [sflag:$0x1] =	stream.indirect.gather [hbm4b:s2+s9], $0x80, s17, s9, $0xb8;
	[tilespmem:$0x18300] =	vst v63  }
0x46: {  	_ =	swait.ge [sflag:s19], $0x4000  }
0x47: {  	[sflag:s19] =	ssyncset.done $0x0  }
0x48: {  	[sflag:s19] =	ssyncadd.s32 $0xFFFFC000  }
0x49: {  	_ =	swait.ge [sflag:s19], $0x4000  }
0x4a: {  	[sflag:s19] =	ssyncset.done $0x0  }
0x4b: {  	[sflag:s19] =	ssyncadd.s32 $0xFFFFC000  }
0x4c: {  	_ =	swait.ge [sflag:s19], $0x4000  }
0x4d: {  	[sflag:s19] =	ssyncset.done $0x0  }
0x4e: {  	[sflag:s19] =	ssyncadd.s32 $0xFFFFC000  }
0x4f: {  	_ =	swait.ge [sflag:s19], $0x4000  }
0x50: {  	[sflag:s19] =	ssyncset.done $0x0  }
0x51: {  	[sflag:s19] =	ssyncadd.s32 $0xFFFFC000  }
0x52: {  	_ =	swait.ge [sflag:s19], $0x4000  }
0x53: {  	[sflag:s19] =	ssyncset.done $0x0  }
0x54: {  	[sflag:s19] =	ssyncadd.s32 $0xFFFFC000  }
0x55: {  	_ =	swait.ge [sflag:s19], $0x4000  }
0x56: {  	[sflag:s19] =	ssyncset.done $0x0  }
0x57: {  	[sflag:s19] =	ssyncadd.s32 $0xFFFFC000  }
0x58: {  	[hbm4b:s20+s4] =	stream.linear.scatter [tilespmem:s10], [sflag:$0x2], $0x8000, $0x38;
	[tilespmem:$0x18300] =	vst v63  }
0x59: {  	_ = 	snop  }
0x5a: {  	[hbm4b:s21+s4] =	stream.linear.scatter [tilespmem:s12], [sflag:$0x2], $0x8000, $0x38;
	[tilespmem:$0x18300] =	vst v63  }
0x5b: {  	_ = 	snop  }
0x5c: {  	[hbm4b:s23+s4] =	stream.linear.scatter [tilespmem:s16], [sflag:$0x2], $0x8000, $0x38;
	[tilespmem:$0x18300] =	vst v63  }
0x5d: {  	_ =	swait.ge [sflag:s22], $0x8000  }
0x5e: {  	[sflag:s22] =	ssyncset.done $0x0  }
0x5f: {  	[sflag:s22] =	ssyncadd.s32 $0xFFFF8000  }
.Ltmp1:
0x60: {  	_ =	swait.ge [sflag:s22], $0x8000;
	(pc) =	sbr.rel @p0 .LBB2_1-.Ltmp1, $4  }
0x61: {  	[sflag:s22] =	ssyncset.done $0x0  }
0x62: {  	[sflag:s22] =	ssyncadd.s32 $0xFFFF8000  }
0x63: {  	_ =	swait.ge [sflag:s22], $0x8000  }
0x64: {  	[sflag:s22] =	ssyncset.done $0x0  }
.LBB2_2:
0x65: {  	[sflag:s22] =	ssyncadd.s32 $0xFFFF8000  }
0x66: {  	_ =	sfence.sel $0x180000  }
0x67: {  	[bflag:$0x0] =	sbarrier.arrive $0xFFFF  }
0x68: {  	p0 =	sne.s32 s0, $0x0;
	_ =	strace $0x9000004A  }
0x69: {  	s0 =	sadd.s32 @!p0 $0x100000, s1;
	[bflag:$0x2] =	sbarrier.arrive $0xFFFF  }
0x6a: {  	[sflag:s0] =	ssyncadd.tile.s32 @!p0 $0x1;
	_ =	shalt  }
.Lfunc_end2:
_tile_overlayer_lowered:
.L_overlay_start_2:
0x6b: {  	(tag) =	ssettag $0x2  }
0x6c: {  	s0 =	rddreg [dreg:$0x0];
	s2 =	stileid.u32  }
0x6d: {  	s1 =	rddreg [dreg:$0x1];
	p0 =	sne.s32 s2, $0x0  }
0x6e: {  	s3 =	rddreg [dreg:$0x2];
	[bflag:$0x3] =	sbarrier.arrive $0xFFFF;
	s2 =	simm.s32 @!p0 $0x1C03  }
0x6f: {  	[timem:s3], [sflag:s2] =	dma.local @!p0 [hbm:s0], s1  }
0x70: {  	s0 =	simm.s32 @!p0 $0x3  }
0x71: {  	_ =	swait.ge @!p0 [sflag:s0], s1  }
0x72: {  	s1 =	ssub.s32 @!p0 $0x0, s1;
	[sflag:s0] =	ssyncset.done @!p0 $0x0  }
0x73: {  	[sflag:s0] =	ssyncadd.s32 @!p0 s1  }
0x74: {  	[bflag:$0x3] =	sbarrier.arrive $0xFFFF  }
0x75: {  	_ =	shalt  }

// kernel: kernel.9.cloned.1.call-start
scs
__scs_entry_jumppad:
0x0: {  	(pc) =	sbr.rel $0x88, $3  }
0x1: {  	(tag) =	ssettag $0x0;
	lr =	simm.s32 $0x1  }
0x2: {  	[smem:$0x3F97] =	sst lr;
	_ =	strace $0xD0000000  }
0x3: {  	_ = 	snop  }
0x4: {  	_ = 	snop  }
0x5: {  	_ = 	snop  }
0x6: {  	_ = 	snop  }
0x7: {  	_ = 	snop  }
__scs_overlays_trampoline_lowered:
0x8: {  	[smem:$0x3FA6] =	sst s0  }
0x9: {  	[smem:$0x3FA7] =	sst s1  }
0xa: {  	[smem:$0x3FA8] =	sst s2  }
0xb: {  	[smem:$0x3FA9] =	sst s3  }
0xc: {  	[smem:$0x3FAA] =	sst s4  }
0xd: {  	[smem:$0x3FAB] =	sst s5  }
0xe: {  	[smem:$0x3FAC] =	sst s6  }
0xf: {  	[smem:$0x3FAD] =	sst s7  }
0x10: {  	[smem:$0x3FAE] =	sst s8  }
0x11: {  	[smem:$0x3FAF] =	sst s9;
	s0 =	simm.s32 @!p0 $0x0  }
0x12: {  	s1 =	sld [smem:$0x3F95];
	s0 =	simm.s32 @p0 $0x1  }
0x13: {  	[smem:$0x3FB0] =	sst s0;
	s0 =	simm.s32 @!p1 $0x0  }
0x14: {  	s2 =	sld [smem:$0x3F94];
	s0 =	simm.s32 @p1 $0x1  }
0x15: {  	[smem:$0x3FB1] =	sst s0;
	s0 =	simm.s32 @!p2 $0x0  }
0x16: {  	s3 =	sld [smem:$0x3FDB];
	s0 =	simm.s32 @p2 $0x1  }
0x17: {  	s4 =	simm.s32 $0x1BF5;
	[smem:$0x3FB3] =	sst s0  }
0x18: {  	s0 =	sld [smem:$0x3F96];
	_ =	swait.ge [sflag:s4], $0x0  }
0x19: {  	s7 =	sld [smem:$0x3F97]  }
0x1a: {  	s8 =	sadd.s32 $0xFFFFE003, lr  }
0x1b: {  	s9 =	sadd.s32 $0xFFFFFEF7, lr;
	s5 =	simm.s32 $0xFFFFFFFF;
	p2 =	slt.u32 s8, $0xFFFFF086  }
0x1c: {  	p1 =	slt.u32 s9, $0xF7A;
	s5 =	simm.s32 @!p2 $0x0  }
0x1d: {  	s5 =	simm.s32 @p1 $0x1;
	p0 =	seq.s32 s7, s2  }
0x1e: {  	s7 =	smul.u32 @!p0 $0xF7A, s2;
	p2 =	seq.s32 @!p0 s5, $0x0  }
0x1f: {  	s9 =	smul.u32 $0xF7A, s1;
	s8 =	simm.s32 @!p0 $0x1BF5;
	p2 =	por !p2, p0  }
0x20: {  	[sflag:s8] =	ssyncset.s32 @!p0 $0xFFFFF086;
	s6 =	sadd.s32 @!p0 s3, s7;
	s7 =	simm.s32 @!p0 $0x108  }
0x21: {  	s3 =	sadd.s32 s3, s9;
	s6 =	sadd.s32 @!p0 $0x88, s6;
	s7 =	simm.s32 @p2 $0x1082  }
0x22: {  	[simem:s7], [sflag:s8] =	dma.local @!p0 [hbm:s6], $0xF7A  }
0x23: {  	s9 =	sor.u32 $0xD0000000, s2;
	s6 =	simm.s32 $0x108;
	_ =	swait.ge @!p0 [sflag:s8], $0x0  }
0x24: {  	s3 =	sadd.s32 $0x88, s3;
	s6 =	simm.s32 @!p1 $0x1082;
	[sflag:s4] =	ssyncset.s32 $0xFFFFF086  }
0x25: {  	[simem:s6], [sflag:s4] =	dma.local [hbm:s3], $0xF7A  }
0x26: {  	[smem:$0x3F97] =	sst s1;
	(tag) =	ssettag s2;
	_ =	strace s9  }
0x27: {  	s1 =	sld [smem:$0x3FA7]  }
0x28: {  	s2 =	sld [smem:$0x3FA8]  }
0x29: {  	s4 =	sld [smem:$0x3FAA]  }
0x2a: {  	p0 =	seq.s32 s5, $0x0;
	s5 =	sld [smem:$0x3FAB]  }
0x2b: {  	s6 =	sld [smem:$0x3FAC]  }
0x2c: {  	s7 =	sld [smem:$0x3FAD]  }
0x2d: {  	s3 =	simm.s32 $0x108;
	s8 =	sld [smem:$0x3FAE]  }
0x2e: {  	s3 =	simm.s32 @!p0 $0x1082;
	s9 =	sld [smem:$0x3FAF]  }
0x2f: {  	lr =	sadd.s32 s0, s3;
	s0 =	sld [smem:$0x3FA6]  }
0x30: {  	s3 =	sld [smem:$0x3FA9]  }
0x31: {  	[smem:$0x3FB2] =	sst s10  }
0x32: {  	s10 =	sld [smem:$0x3FB0];
	_ =	sdelay $0x3  }
0x33: {  	p0 =	seq.s32 s10, $0x1;
	s10 =	sld [smem:$0x3FB2];
	_ =	sdelay $0x3  }
0x34: {  	[smem:$0x3FB2] =	sst s10  }
0x35: {  	s10 =	sld [smem:$0x3FB1];
	_ =	sdelay $0x3  }
0x36: {  	p1 =	seq.s32 s10, $0x1;
	s10 =	sld [smem:$0x3FB2];
	_ =	sdelay $0x3  }
0x37: {  	[smem:$0x3FB2] =	sst s10  }
0x38: {  	s10 =	sld [smem:$0x3FB3]  }
0x39: {  	_ = 	snop;
	(pc) =	sbr.ind lr, $3  }
0x3a: {  	_ = 	snop  }
0x3b: {  	_ = 	snop  }
0x3c: {  	p2 =	seq.s32 s10, $0x1;
	s10 =	sld [smem:$0x3FB2]  }
0x3d: {  	_ =	shalt  }
0x3e: {  	_ =	shalt  }
0x3f: {  	_ =	shalt  }
0x40: {  	_ =	shalt  }
0x41: {  	_ =	shalt  }
0x42: {  	_ =	shalt  }
0x43: {  	_ =	shalt  }
0x44: {  	_ =	shalt  }
0x45: {  	_ =	shalt  }
0x46: {  	_ =	shalt  }
0x47: {  	_ =	shalt  }
0x48: {  	_ =	shalt  }
0x49: {  	_ =	shalt  }
0x4a: {  	_ =	shalt  }
0x4b: {  	_ =	shalt  }
0x4c: {  	_ =	shalt  }
0x4d: {  	_ =	shalt  }
0x4e: {  	_ =	shalt  }
0x4f: {  	_ =	shalt  }
0x50: {  	_ =	shalt  }
0x51: {  	_ =	shalt  }
0x52: {  	_ =	shalt  }
0x53: {  	_ =	shalt  }
0x54: {  	_ =	shalt  }
0x55: {  	_ =	shalt  }
0x56: {  	_ =	shalt  }
0x57: {  	_ =	shalt  }
0x58: {  	_ =	shalt  }
0x59: {  	_ =	shalt  }
0x5a: {  	_ =	shalt  }
0x5b: {  	_ =	shalt  }
0x5c: {  	_ =	shalt  }
0x5d: {  	_ =	shalt  }
0x5e: {  	_ =	shalt  }
0x5f: {  	_ =	shalt  }
0x60: {  	_ =	shalt  }
0x61: {  	_ =	shalt  }
0x62: {  	_ =	shalt  }
0x63: {  	_ =	shalt  }
0x64: {  	_ =	shalt  }
0x65: {  	_ =	shalt  }
0x66: {  	_ =	shalt  }
0x67: {  	_ =	shalt  }
0x68: {  	_ =	shalt  }
0x69: {  	_ =	shalt  }
0x6a: {  	_ =	shalt  }
0x6b: {  	_ =	shalt  }
0x6c: {  	_ =	shalt  }
0x6d: {  	_ =	shalt  }
0x6e: {  	_ =	shalt  }
0x6f: {  	_ =	shalt  }
0x70: {  	_ =	shalt  }
0x71: {  	_ =	shalt  }
0x72: {  	_ =	shalt  }
0x73: {  	_ =	shalt  }
0x74: {  	_ =	shalt  }
0x75: {  	_ =	shalt  }
0x76: {  	_ =	shalt  }
0x77: {  	_ =	shalt  }
0x78: {  	_ =	shalt  }
0x79: {  	_ =	shalt  }
0x7a: {  	_ =	shalt  }
0x7b: {  	_ =	shalt  }
0x7c: {  	_ =	shalt  }
0x7d: {  	_ =	shalt  }
0x7e: {  	_ =	shalt  }
0x7f: {  	_ =	shalt  }
0x80: {  	_ =	shalt  }
0x81: {  	_ =	shalt  }
0x82: {  	_ =	shalt  }
0x83: {  	_ =	shalt  }
0x84: {  	_ =	shalt  }
0x85: {  	_ =	shalt  }
0x86: {  	_ =	shalt  }
0x87: {  	_ =	shalt  }
.Lfunc_end0:
.L_simem_size_0:
called_computation.1_lowered:
.L_overlay_start_0:
0x88: {  	s2 =	sld [smem:$0x3FD9]  }
0x89: {  	s3 =	sld [smem:$0x3FFE];
	_ =	sdelay $0x1  }
0x8a: {  	s1 =	srdreg.scid  }
0x8b: {  	s0 =	sand.u32 $0x1, s1  }
0x8c: {  	s17 =	sshll.u32 s0, $0xA;
	s2 =	sadd.s32 s3, s2  }
0x8d: {  	s2 =	sadd.s32 s2, s17  }
0x8e: {  	[smem:$0x3FBE] =	sst s2  }
0x8f: {  	_ = 	snop  }
0x90: {  	s2 =	sld [smem:$0x3FC7]  }
0x91: {  	s18 =	sld [smem:$0x3FC6];
	(tm) =	ssettm $0x1  }
0x92: {  	s4 =	sld [smem:$0x3FFB];
	_ =	sdelay $0x3  }
0x93: {  	_ =	strace s4  }
0x94: {  	s4 =	sld [smem:$0x3FFC];
	_ =	sdelay $0x3  }
0x95: {  	_ =	strace s4  }
0x96: {  	s4 =	sld [smem:$0x3FFD];
	_ =	sdelay $0x3  }
0x97: {  	_ =	strace s4  }
0x98: {  	_ =	strace $0x8FFFFFFF  }
0x99: {  	s19 =	sld [smem:$0x3FDB];
	_ =	sdelay $0x1  }
0x9a: {  	s5 =	simm.s32 $_scs_section_size  }
0x9b: {  	s6 =	simm.s32 $_size__tile_overlayer_lowered;
	s7 =	simm.s32 $_tile_overlayer_lowered  }
0x9c: {  	s22 =	simm.s32 $0x1BFF;
	s21 =	sshll.u32 s7, $0x1;
	s4 =	sadd.s32 s5, s19  }
0x9d: {  	s8 =	simm.s32 $0x0;
	s20 =	sshll.u32 s6, $0x1;
	s6 =	sadd.s32 s21, s4  }
0x9e: {  	[timem:s8], [sflag:s22] =	dma.local [hbm:s6], s20  }
0x9f: {  	_ =	swait.ge [sflag:s22], s20  }
0xa0: {  	s5 =	ssub.s32 $0x0, s20;
	[sflag:s22] =	ssyncset.done $0x0  }
0xa1: {  	[sflag:s22] =	ssyncadd.s32 s5;
	_ =	sdelay $0x1  }
0xa2: {  	s23 =	simm.s32 $0x1B8B  }
0xa3: {  	_ =	swait.ge [sflag:s23], $0x1  }
0xa4: {  	[sflag:s23] =	ssyncset.done $0x0  }
0xa5: {  	s25 =	simm.s32 $0x1B8E;
	s24 =	sld [smem:$0x3FFE];
	[sflag:s23] =	ssyncadd.s32 $0xFFFFFFFF  }
0xa6: {  	s26 =	simm.s32 $execute0_lowered;
	[smem:$0x3FD2] =	sst s25  }
0xa7: {  	s6 =	sshll.u32 s26, $0x1;
	_ =	strace $0x80000046;
	[dreg:$0x1] =	wrdreg $0xFFFFFFFF  }
0xa8: {  	s28 =	simm.s32 $_size_execute0_lowered;
	s4 =	sadd.s32 s4, s6;
	[dreg:$0x0] =	wrdreg $0x0  }
0xa9: {  	s6 =	sshll.u32 s28, $0x1;
	[dreg:$0x2] =	wrdreg s4  }
0xaa: {  	[dreg:$0x3] =	wrdreg s6  }
0xab: {  	[dreg:$0x4] =	wrdreg $0xC0  }
0xac: {  	_ =	task [dreg:s8], $0x5FFFF  }
0xad: {  	[dreg:$0x1] =	wrdreg $0xFFFFFFFF  }
0xae: {  	[dreg:$0x0] =	wrdreg $0x60  }
0xaf: {  	[dreg:$0x2] =	wrdreg s24  }
0xb0: {  	[dreg:$0x3] =	wrdreg s2  }
0xb1: {  	[dreg:$0x4] =	wrdreg s18  }
0xb2: {  	[dreg:$0x5] =	wrdreg $0xA  }
0xb3: {  	_ =	task.clear_ibuf [dreg:s8], $0x6FFFF;
	_ =	strace $0x90000046  }
0xb4: {  	s29 =	simm.s32 $0xA;
	_ =	strace $0x80000048  }
0xb5: {  	_ =	swait.ge [sflag:s29], $0x1  }
0xb6: {  	[sflag:s29] =	ssyncadd.s32 $0xFFFFFFFF  }
0xb7: {  	_ =	strace $0x90000048  }
0xb8: {  	_ =	sfence  }
0xb9: {  	s30 =	sld [smem:$0x0];
	_ =	sdelay $0x2  }
0xba: {  	s31 =	sshll.u32 s1, $0xD;
	s1 =	sshrl.u32 s1, $0x2  }
0xbb: {  	s3 =	sand.u32 $0x4000, s31;
	s1 =	sadd.s32 s1, s30  }
0xbc: {  	s0 =	sor.u32 s3, s0;
	s1 =	sshll.u32 s1, $0x11  }
0xbd: {  	s0 =	sor.u32 s1, s0  }
0xbe: {  	s0 =	sadd.s32 $0x8F2B, s0  }
0xbf: {  	[sflag:s0] =	ssyncadd.remote.s32 $0x1  }
0xc0: {  	_ =	sfence.sel $0xFFFF  }
0xc1: {  	[dreg:$0x0] =	wrdreg $0xFFFFFFFF;
	(pc) =	sbr.abs _section_cstart, $3  }
0xc2: {  	[dreg:$0x1] =	wrdreg $0xFFFFFFFF  }
0xc3: {  	_ =	task.clear_ibuf [dreg:s8], $0x2FFFF;
	_ =	strace $0x9FFFFFFF  }
0xc4: {  	(tm) =	ssettm $0x7FFFFFFF  }
0xc5: {  	_ =	shalt  }
tec
execute0_lowered:
.L_overlay_start_1:
0x0: {  	(tag) =	ssettag $0x1  }
0x1: {  	s20 =	rddreg [dreg:$0x0]  }
0x2: {  	s1 =	srdreg.scid;
	s0 =	stileid.u32  }
0x3: {  	s2 =	rddreg [dreg:$0x1];
	s24 =	sand.u32 $0x1, s1;
	s31 =	sshll.u32 s0, $0x1  }
0x4: {  	s3 =	rddreg [dreg:$0x2];
	s4 =	simm.s32 $0x0;
	s21 =	sor.u32 s24, s31  }
0x5: {  	s6 =	simm.s32 $0x100;
	s7 =	simm.s32 $0x2000;
	s5 =	sshll.u32 s21, $0x5  }
0x6: {  	s8 =	simm.s32 $0x3;
	[smem:$0x7FF] =	sst s4;
	s5 =	sadd.s32 s5, s20  }
0x7: {  	s1 =	rddreg [dreg:$0x3];
	_ =	strace $0x80000047;
	s5 =	sadd.s32 $0x3400, s5  }
0x8: {  	[tilespmem:s4], [sflag:$0x3] =	stream.strided.gather [hbm4b:s5+s6], $0x300, s7, s6, $0x38;
	[tilespmem:$0x18300] =	vst v63  }
0x9: {  	_ =	swait.ge [sflag:s8], $0x300  }
0xa: {  	[sflag:s8] =	ssyncset.done $0x0  }
0xb: {  	s9 =	simm.s32 $0x80;
	s10 =	simm.s32 $0x300;
	[sflag:s8] =	ssyncadd.s32 $0xFFFFFD00  }
0xc: {  	[tilespmem:s10], [sflag:$0x1] =	stream.indirect.gather [hbm4b:s2+s9], $0x80, s4, s9, $0xb8;
	[tilespmem:$0x18300] =	vst v63  }
0xd: {  	s11 =	simm.s32 $0x4300  }
0xe: {  	[tilespmem:s11], [sflag:$0x1] =	stream.indirect.gather [hbm4b:s2+s9], $0x80, s9, s9, $0xb8;
	[tilespmem:$0x18300] =	vst v63  }
0xf: {  	s12 =	simm.s32 $0x8300  }
0x10: {  	[tilespmem:s12], [sflag:$0x1] =	stream.indirect.gather [hbm4b:s3+s9], $0x80, s6, s9, $0xb8;
	[tilespmem:$0x18300] =	vst v63  }
0x11: {  	s13 =	simm.s32 $0x180;
	s14 =	simm.s32 $0xC300  }
0x12: {  	[tilespmem:s14], [sflag:$0x1] =	stream.indirect.gather [hbm4b:s3+s9], $0x80, s13, s9, $0xb8;
	[tilespmem:$0x18300] =	vst v63  }
0x13: {  	s15 =	simm.s32 $0x200;
	s16 =	simm.s32 $0x10300  }
0x14: {  	[tilespmem:s16], [sflag:$0x1] =	stream.indirect.gather [hbm4b:s2+s9], $0x80, s15, s9, $0xb8;
	[tilespmem:$0x18300] =	vst v63  }
0x15: {  	s17 =	simm.s32 $0x280;
	s18 =	simm.s32 $0x14300;
	s19 =	simm.s32 $0x1  }
0x16: {  	[tilespmem:s18], [sflag:$0x1] =	stream.indirect.gather [hbm4b:s2+s9], $0x80, s17, s9, $0xb8;
	[tilespmem:$0x18300] =	vst v63  }
0x17: {  	_ =	swait.ge [sflag:s19], $0x4000  }
0x18: {  	[sflag:s19] =	ssyncset.done $0x0  }
0x19: {  	[sflag:s19] =	ssyncadd.s32 $0xFFFFC000  }
0x1a: {  	_ =	swait.ge [sflag:s19], $0x4000  }
0x1b: {  	[sflag:s19] =	ssyncset.done $0x0  }
0x1c: {  	[sflag:s19] =	ssyncadd.s32 $0xFFFFC000  }
0x1d: {  	_ =	swait.ge [sflag:s19], $0x4000  }
0x1e: {  	[sflag:s19] =	ssyncset.done $0x0  }
0x1f: {  	[sflag:s19] =	ssyncadd.s32 $0xFFFFC000  }
0x20: {  	_ =	swait.ge [sflag:s19], $0x4000  }
0x21: {  	[sflag:s19] =	ssyncset.done $0x0  }
0x22: {  	[sflag:s19] =	ssyncadd.s32 $0xFFFFC000  }
0x23: {  	_ =	swait.ge [sflag:s19], $0x4000  }
0x24: {  	[sflag:s19] =	ssyncset.done $0x0  }
0x25: {  	[sflag:s19] =	ssyncadd.s32 $0xFFFFC000  }
0x26: {  	s21 =	sshll.u32 s21, $0xC;
	_ =	swait.ge [sflag:s19], $0x4000  }
0x27: {  	s22 =	sadd.s32 s21, s20;
	[sflag:s19] =	ssyncset.done $0x0  }
0x28: {  	s20 =	sadd.s32 $0x4C00, s22;
	[sflag:s19] =	ssyncadd.s32 $0xFFFFC000  }
0x29: {  	[hbm4b:s20+s4] =	stream.linear.scatter [tilespmem:s10], [sflag:$0x2], $0x8000, $0x38;
	[tilespmem:$0x18300] =	vst v63  }
0x2a: {  	s24 =	ssub.s32 $0x2, s24;
	s21 =	sadd.s32 $0x24C00, s22  }
0x2b: {  	[hbm4b:s21+s4] =	stream.linear.scatter [tilespmem:s12], [sflag:$0x2], $0x8000, $0x38;
	[tilespmem:$0x18300] =	vst v63  }
0x2c: {  	s25 =	sshrl.u32 s24, $0x1;
	s23 =	sadd.s32 $0x44C00, s22;
	s22 =	simm.s32 $0x2  }
0x2d: {  	[hbm4b:s23+s4] =	stream.linear.scatter [tilespmem:s16], [sflag:$0x2], $0x8000, $0x38;
	[tilespmem:$0x18300] =	vst v63  }
0x2e: {  	s24 =	ssub.s32 s24, s25;
	_ =	swait.ge [sflag:s22], $0x8000  }
0x2f: {  	s24 =	smax.u32 s24, $0x1;
	[sflag:s22] =	ssyncset.done $0x0  }
0x30: {  	p0 =	sne.s32 s24, $0x1;
	[sflag:s22] =	ssyncadd.s32 $0xFFFF8000  }
.Ltmp0:
0x31: {  	_ =	swait.ge [sflag:s22], $0x8000;
	(pc) =	sbr.rel @!p0 .LBB2_2-.Ltmp0, $4  }
0x32: {  	[sflag:s22] =	ssyncset.done $0x0  }
0x33: {  	[sflag:s22] =	ssyncadd.s32 $0xFFFF8000  }
0x34: {  	_ =	swait.ge [sflag:s22], $0x8000  }
0x35: {  	s24 =	sadd.s32 $0xFFFFFFFF, s24;
	[sflag:s22] =	ssyncset.done $0x0  }
.LBB2_1:
0x36: {  	p0 =	sne.s32 s24, $0x1;
	s24 =	sadd.s32 $0xFFFFFFFF, s24;
	[sflag:s22] =	ssyncadd.s32 $0xFFFF8000  }
0x37: {  	[tilespmem:s4], [sflag:$0x3] =	stream.strided.gather [hbm4b:s5+s6], $0x300, s7, s6, $0x38;
	[tilespmem:$0x18300] =	vst v63  }
0x38: {  	_ =	swait.ge [sflag:s8], $0x300  }
0x39: {  	[sflag:s8] =	ssyncset.done $0x0  }
0x3a: {  	[sflag:s8] =	ssyncadd.s32 $0xFFFFFD00  }
0x3b: {  	[tilespmem:s10], [sflag:$0x1] =	stream.indirect.gather [hbm4b:s2+s9], $0x80, s4, s9, $0xb8;
	[tilespmem:$0x18300] =	vst v63  }
0x3c: {  	_ = 	snop  }
0x3d: {  	[tilespmem:s11], [sflag:$0x1] =	stream.indirect.gather [hbm4b:s2+s9], $0x80, s9, s9, $0xb8;
	[tilespmem:$0x18300] =	vst v63  }
0x3e: {  	_ = 	snop  }
0x3f: {  	[tilespmem:s12], [sflag:$0x1] =	stream.indirect.gather [hbm4b:s3+s9], $0x80, s6, s9, $0xb8;
	[tilespmem:$0x18300] =	vst v63  }
0x40: {  	_ = 	snop  }
0x41: {  	[tilespmem:s14], [sflag:$0x1] =	stream.indirect.gather [hbm4b:s3+s9], $0x80, s13, s9, $0xb8;
	[tilespmem:$0x18300] =	vst v63  }
0x42: {  	_ = 	snop  }
0x43: {  	[tilespmem:s16], [sflag:$0x1] =	stream.indirect.gather [hbm4b:s2+s9], $0x80, s15, s9, $0xb8;
	[tilespmem:$0x18300] =	vst v63  }
0x44: {  	_ = 	snop  }
0x45: {  	[tilespmem:s18], [sflag:$0x1] =	stream.indirect.gather [hbm4b:s2+s9], $0x80, s17, s9, $0xb8;
	[tilespmem:$0x18300] =	vst v63  }
0x46: {  	_ =	swait.ge [sflag:s19], $0x4000  }
0x47: {  	[sflag:s19] =	ssyncset.done $0x0  }
0x48: {  	[sflag:s19] =	ssyncadd.s32 $0xFFFFC000  }
0x49: {  	_ =	swait.ge [sflag:s19], $0x4000  }
0x4a: {  	[sflag:s19] =	ssyncset.done $0x0  }
0x4b: {  	[sflag:s19] =	ssyncadd.s32 $0xFFFFC000  }
0x4c: {  	_ =	swait.ge [sflag:s19], $0x4000  }
0x4d: {  	[sflag:s19] =	ssyncset.done $0x0  }
0x4e: {  	[sflag:s19] =	ssyncadd.s32 $0xFFFFC000  }
0x4f: {  	_ =	swait.ge [sflag:s19], $0x4000  }
0x50: {  	[sflag:s19] =	ssyncset.done $0x0  }
0x51: {  	[sflag:s19] =	ssyncadd.s32 $0xFFFFC000  }
0x52: {  	_ =	swait.ge [sflag:s19], $0x4000  }
0x53: {  	[sflag:s19] =	ssyncset.done $0x0  }
0x54: {  	[sflag:s19] =	ssyncadd.s32 $0xFFFFC000  }
0x55: {  	_ =	swait.ge [sflag:s19], $0x4000  }
0x56: {  	[sflag:s19] =	ssyncset.done $0x0  }
0x57: {  	[sflag:s19] =	ssyncadd.s32 $0xFFFFC000  }
0x58: {  	[hbm4b:s20+s4] =	stream.linear.scatter [tilespmem:s10], [sflag:$0x2], $0x8000, $0x38;
	[tilespmem:$0x18300] =	vst v63  }
0x59: {  	_ = 	snop  }
0x5a: {  	[hbm4b:s21+s4] =	stream.linear.scatter [tilespmem:s12], [sflag:$0x2], $0x8000, $0x38;
	[tilespmem:$0x18300] =	vst v63  }
0x5b: {  	_ = 	snop  }
0x5c: {  	[hbm4b:s23+s4] =	stream.linear.scatter [tilespmem:s16], [sflag:$0x2], $0x8000, $0x38;
	[tilespmem:$0x18300] =	vst v63  }
0x5d: {  	_ =	swait.ge [sflag:s22], $0x8000  }
0x5e: {  	[sflag:s22] =	ssyncset.done $0x0  }
0x5f: {  	[sflag:s22] =	ssyncadd.s32 $0xFFFF8000  }
.Ltmp1:
0x60: {  	_ =	swait.ge [sflag:s22], $0x8000;
	(pc) =	sbr.rel @p0 .LBB2_1-.Ltmp1, $4  }
0x61: {  	[sflag:s22] =	ssyncset.done $0x0  }
0x62: {  	[sflag:s22] =	ssyncadd.s32 $0xFFFF8000  }
0x63: {  	_ =	swait.ge [sflag:s22], $0x8000  }
0x64: {  	[sflag:s22] =	ssyncset.done $0x0  }
.LBB2_2:
0x65: {  	[sflag:s22] =	ssyncadd.s32 $0xFFFF8000  }
0x66: {  	_ =	sfence.sel $0x180000  }
0x67: {  	[bflag:$0x0] =	sbarrier.arrive $0xFFFF  }
0x68: {  	p0 =	sne.s32 s0, $0x0;
	_ =	strace $0x90000047  }
0x69: {  	s0 =	sadd.s32 @!p0 $0x100000, s1;
	[bflag:$0x2] =	sbarrier.arrive $0xFFFF  }
0x6a: {  	[sflag:s0] =	ssyncadd.tile.s32 @!p0 $0x1;
	_ =	shalt  }
.Lfunc_end2:
_tile_overlayer_lowered:
.L_overlay_start_2:
0x6b: {  	(tag) =	ssettag $0x2  }
0x6c: {  	s0 =	rddreg [dreg:$0x0];
	s2 =	stileid.u32  }
0x6d: {  	s1 =	rddreg [dreg:$0x1];
	p0 =	sne.s32 s2, $0x0  }
0x6e: {  	s3 =	rddreg [dreg:$0x2];
	[bflag:$0x3] =	sbarrier.arrive $0xFFFF;
	s2 =	simm.s32 @!p0 $0x1C03  }
0x6f: {  	[timem:s3], [sflag:s2] =	dma.local @!p0 [hbm:s0], s1  }
0x70: {  	s0 =	simm.s32 @!p0 $0x3  }
0x71: {  	_ =	swait.ge @!p0 [sflag:s0], s1  }
0x72: {  	s1 =	ssub.s32 @!p0 $0x0, s1;
	[sflag:s0] =	ssyncset.done @!p0 $0x0  }
0x73: {  	[sflag:s0] =	ssyncadd.s32 @!p0 s1  }
0x74: {  	[bflag:$0x3] =	sbarrier.arrive $0xFFFF  }
0x75: {  	_ =	shalt  }

</sc_bundles>
